<compile_context>
chip_gen: v7x
topology: tpu7x:2x2x1
jax: 0.10.2.dev20260603
libtpu: 0.0.44.dev20260713+nightly
codegen_flags: <defaults>
</compile_context>

<pallas_src>
import functools

import jax
import jax.numpy as jnp
from jax import lax
from jax.experimental import pallas as pl
from jax.experimental.pallas import tpu as pltpu
from jax.experimental.pallas import tpu_sc as plsc

f32 = jnp.float32
i32 = jnp.int32

N = 10000
E = 320000
D_IN = 128
HID = 32
HEADS = 8
EDGE_DIM = HID // 4

ETOT = N + E
NC, NS = 2, 16
EPB = 128
NCHUNK = 162
EPS = NCHUNK * EPB
EPAD = NS * EPS
TOTC = NS * NCHUNK
NP = 10240
NPS = NP // NS
ROWS1 = 144
ROWS2 = 32

_mesh = plsc.VectorSubcoreMesh(
    core_axis_name="c", subcore_axis_name="s", num_cores=NC, num_subcores=NS)


_EB = 32000


def _k1a_body(eattrT, wseT, bseT, m1T, m2T, eal1T, eal2T, easum, acc):
    i = pl.program_id(0)
    ea = jnp.maximum(
        jnp.dot(wseT[...], eattrT[...], preferred_element_type=f32)
        + bseT[...], 0.0)
    eal1T[...] = jnp.dot(m1T[...], ea, preferred_element_type=f32)
    eal2T[...] = jnp.dot(m2T[...], ea, preferred_element_type=f32)

    @pl.when(i == 0)
    def _():
        acc[...] = jnp.zeros_like(acc)

    acc[...] += jnp.sum(ea, axis=1, keepdims=True)
    easum[...] = acc[...]


def _k1a(edge_attrT, w_seT, b_seT, m1T, m2T):
    grid = E // _EB
    return pl.pallas_call(
        _k1a_body,
        grid=(grid,),
        in_specs=[
            pl.BlockSpec((2, _EB), lambda i: (0, i)),
            pl.BlockSpec((EDGE_DIM, 2), lambda i: (0, 0)),
            pl.BlockSpec((EDGE_DIM, 1), lambda i: (0, 0)),
            pl.BlockSpec((EDGE_DIM, EDGE_DIM), lambda i: (0, 0)),
            pl.BlockSpec((1, EDGE_DIM), lambda i: (0, 0)),
        ],
        out_specs=[
            pl.BlockSpec((EDGE_DIM, _EB), lambda i: (0, i)),
            pl.BlockSpec((1, _EB), lambda i: (0, i)),
            pl.BlockSpec((EDGE_DIM, 1), lambda i: (0, 0)),
        ],
        out_shape=[
            jax.ShapeDtypeStruct((EDGE_DIM, E), f32),
            jax.ShapeDtypeStruct((1, E), f32),
            jax.ShapeDtypeStruct((EDGE_DIM, 1), f32),
        ],
        scratch_shapes=[pltpu.VMEM((EDGE_DIM, 1), f32)],
    )(edge_attrT, w_seT, b_seT, m1T, m2T)


_NB = 1000


def _k1b_body(x, w1, ssrc, sdst, htab, asrc, adst):
    hb = jnp.dot(x[...], w1[...], preferred_element_type=f32)
    ones = jnp.ones((_NB, 4), f32)
    zeros = jnp.zeros((_NB, 12), f32)
    htab[0] = jnp.concatenate([hb[:, 0:128], ones, zeros], axis=1)
    htab[1] = jnp.concatenate([hb[:, 128:256], ones, zeros], axis=1)
    asv = jnp.dot(hb, ssrc[...], preferred_element_type=f32)
    adv = jnp.dot(hb, sdst[...], preferred_element_type=f32)
    asrc[0] = asv[:, 0:4]
    asrc[1] = asv[:, 4:8]
    adst[0] = adv[:, 0:4]
    adst[1] = adv[:, 4:8]


def _k1b(x, w1, ssrc, sdst):
    grid = N // _NB
    return pl.pallas_call(
        _k1b_body,
        grid=(grid,),
        in_specs=[
            pl.BlockSpec((_NB, D_IN), lambda i: (i, 0)),
            pl.BlockSpec((D_IN, HEADS * HID), lambda i: (0, 0)),
            pl.BlockSpec((HEADS * HID, HEADS), lambda i: (0, 0)),
            pl.BlockSpec((HEADS * HID, HEADS), lambda i: (0, 0)),
        ],
        out_specs=[
            pl.BlockSpec((2, _NB, ROWS1), lambda i: (0, i, 0)),
            pl.BlockSpec((2, _NB, 4), lambda i: (0, i, 0)),
            pl.BlockSpec((2, _NB, 4), lambda i: (0, i, 0)),
        ],
        out_shape=[
            jax.ShapeDtypeStruct((2, N, ROWS1), f32),
            jax.ShapeDtypeStruct((2, N, 4), f32),
            jax.ShapeDtypeStruct((2, N, 4), f32),
        ],
    )(x, w1, ssrc, sdst)


def _k2_body(src_h, dst_h, eal_h, asrc_h, adst_h, htab_h, out_h,
             src_v, dst_v, dsto_v, asv_v, adv_v, eal_v, z_v, rows_v,
             accS, sem):
    c = lax.axis_index("c")
    s = lax.axis_index("s")
    cN = c * N
    lane = lax.iota(i32, 16)
    e_of = lane >> 2
    h_of = lane & 3

    def zrow(g, _):
        e = g // 9
        k = g - e * 9
        rows_v[e, pl.ds(k * 16, 16)] = jnp.zeros((16,), f32)
        return 0
    lax.fori_loop(0, EPB * 9, zrow, 0)
    for k in range(NPS // EPB):
        pltpu.sync_copy(rows_v, accS.at[pl.ds(s * NPS + k * EPB, EPB)])
    plsc.subcore_barrier()

    base = s * EPS

    def chunk(i, _):
        off = base + i * EPB
        q = s * NCHUNK + i
        pltpu.sync_copy(src_h.at[pl.ds(off, EPB)], src_v)
        pltpu.sync_copy(dst_h.at[pl.ds(off, EPB)], dst_v)
        pltpu.sync_copy(eal_h.at[pl.ds((c * TOTC + q) * 4, 4)], eal_v)

        def og(g, _):
            sl = pl.ds(g * 16, 16)
            src_v[sl] = src_v[sl] + cN
            dsto_v[sl] = dst_v[sl] + c * NP
            return 0
        lax.fori_loop(0, EPB // 16, og, 0)

        ca = pltpu.async_copy(asrc_h.at[src_v], asv_v, sem)
        cb = pltpu.async_copy(adst_h.at[dsto_v], adv_v, sem)
        cc = pltpu.async_copy(htab_h.at[src_v], rows_v, sem)
        ca.wait()
        cb.wait()
        cc.wait()

        def zg(g, _):
            i0 = g * 4 + e_of
            sl = pl.ds(g * 16, 16)
            a_s = plsc.load_gather(asv_v, [i0, h_of])
            a_d = plsc.load_gather(adv_v, [i0, h_of])
            ev = plsc.load_gather(eal_v, [h_of, i0])
            t = a_s + a_d + ev
            t = jnp.where(t > 0.0, t, t * 0.2)
            z_v[sl] = jnp.exp(t)
            return 0
        lax.fori_loop(0, EPB // 4, zg, 0)

        def se(e, _):
            e16 = jnp.broadcast_to(e * 4, (16,)).astype(i32)
            for k in range(4):
                m = plsc.load_gather(z_v, [e16 + k])
                sl0 = pl.ds((2 * k) * 16, 16)
                sl1 = pl.ds((2 * k + 1) * 16, 16)
                rows_v[e, sl0] = rows_v[e, sl0] * m
                rows_v[e, sl1] = rows_v[e, sl1] * m
            md = plsc.load_gather(z_v, [e16 + h_of])
            sl = pl.ds(128, 16)
            rows_v[e, sl] = rows_v[e, sl] * md
            return 0
        lax.fori_loop(0, EPB, se, 0)

        pltpu.sync_copy(rows_v, accS.at[dst_v], add=True)
        return 0
    lax.fori_loop(0, NCHUNK, chunk, 0)

    plsc.subcore_barrier()
    for k in range(NPS // EPB):
        r0 = s * NPS + k * EPB
        pltpu.sync_copy(accS.at[pl.ds(r0, EPB)],
                        out_h.at[pl.ds(c * NP + r0, EPB)])


_k2 = functools.partial(
    pl.kernel,
    out_type=jax.ShapeDtypeStruct((2 * NP, ROWS1), f32),
    mesh=_mesh,
    compiler_params=pltpu.CompilerParams(needs_layout_passes=False, use_tc_tiling_on_sc=False),
    scratch_types=[
        pltpu.VMEM((EPB,), i32),
        pltpu.VMEM((EPB,), i32),
        pltpu.VMEM((EPB,), i32),
        pltpu.VMEM((EPB, 4), f32),
        pltpu.VMEM((EPB, 4), f32),
        pltpu.VMEM((4, EPB), f32),
        pltpu.VMEM((EPB * 4,), f32),
        pltpu.VMEM((EPB, ROWS1), f32),
        pltpu.VMEM_SHARED((NP, ROWS1), f32),
        pltpu.SemaphoreType.DMA,
    ],
)(_k2_body)


def _k3_body(acc, w2, r4, b1, as2, ad2, h2x, a2s, a2d):
    a0 = acc[0]
    a1 = acc[1]
    den0 = jnp.dot(a0[:, 128:132], r4[...], preferred_element_type=f32)
    den1 = jnp.dot(a1[:, 128:132], r4[...], preferred_element_type=f32)
    h1 = jnp.concatenate(
        [a0[:, 0:128] / (den0 + 1e-16), a1[:, 0:128] / (den1 + 1e-16)],
        axis=1) + b1[...]
    h1 = jnp.maximum(h1, 0.0)
    h2 = jnp.dot(h1, w2[...], preferred_element_type=f32)
    ones = jnp.ones((_NB, 1), f32)
    zeros = jnp.zeros((_NB, 15), f32)
    h2x[0] = jnp.concatenate([h2[:, 0:16], ones, zeros], axis=1)
    h2x[1] = jnp.concatenate([h2[:, 16:32], ones, zeros], axis=1)
    a2s[...] = jnp.dot(h2, as2[...], preferred_element_type=f32)
    a2d[...] = jnp.dot(h2, ad2[...], preferred_element_type=f32)


def _k3(acc1, w2, r4, b1, as2, ad2):
    grid = N // _NB
    return pl.pallas_call(
        _k3_body,
        grid=(grid,),
        in_specs=[
            pl.BlockSpec((2, _NB, ROWS1), lambda i: (0, i, 0)),
            pl.BlockSpec((HEADS * HID, HID), lambda i: (0, 0)),
            pl.BlockSpec((4, 128), lambda i: (0, 0)),
            pl.BlockSpec((1, HEADS * HID), lambda i: (0, 0)),
            pl.BlockSpec((HID, 1), lambda i: (0, 0)),
            pl.BlockSpec((HID, 1), lambda i: (0, 0)),
        ],
        out_specs=[
            pl.BlockSpec((2, _NB, ROWS2), lambda i: (0, i, 0)),
            pl.BlockSpec((_NB, 1), lambda i: (i, 0)),
            pl.BlockSpec((_NB, 1), lambda i: (i, 0)),
        ],
        out_shape=[
            jax.ShapeDtypeStruct((2, N, ROWS2), f32),
            jax.ShapeDtypeStruct((N, 1), f32),
            jax.ShapeDtypeStruct((N, 1), f32),
        ],
    )(acc1, w2, r4, b1, as2, ad2)


def _k4_body(src_h, dst_h, eal_h, asrc_h, adst_h, htab_h, out_h,
             asrc_v, adst_v, src_v, dst_v, eal_v, z_v, rows_v, accS, sem):
    c = lax.axis_index("c")
    s = lax.axis_index("s")
    cN = c * N

    pltpu.sync_copy(asrc_h, asrc_v)
    pltpu.sync_copy(adst_h, adst_v)

    def zrow(g, _):
        e = g // 2
        k = g - e * 2
        rows_v[e, pl.ds(k * 16, 16)] = jnp.zeros((16,), f32)
        return 0
    lax.fori_loop(0, EPB * 2, zrow, 0)
    for k in range(NPS // EPB):
        pltpu.sync_copy(rows_v, accS.at[pl.ds(s * NPS + k * EPB, EPB)])
    plsc.subcore_barrier()

    base = s * EPS

    def chunk(i, _):
        off = base + i * EPB
        pltpu.sync_copy(src_h.at[pl.ds(off, EPB)], src_v)
        pltpu.sync_copy(dst_h.at[pl.ds(off, EPB)], dst_v)
        pltpu.sync_copy(eal_h.at[pl.ds(off, EPB)], eal_v)

        def zg(g, _):
            sl = pl.ds(g * 16, 16)
            s16 = src_v[sl]
            d16 = dst_v[sl]
            a_s = plsc.load_gather(asrc_v, [s16])
            a_d = plsc.load_gather(adst_v, [d16])
            t = a_s + a_d + eal_v[sl]
            t = jnp.where(t > 0.0, t, t * 0.2)
            z_v[sl] = jnp.exp(t)
            src_v[sl] = s16 + cN
            return 0
        lax.fori_loop(0, EPB // 16, zg, 0)

        pltpu.async_copy(htab_h.at[src_v], rows_v, sem).wait()

        def se(e, _):
            m = plsc.load_gather(z_v, [jnp.broadcast_to(e, (16,)).astype(i32)])
            sl0 = pl.ds(0, 16)
            sl1 = pl.ds(16, 16)
            rows_v[e, sl0] = rows_v[e, sl0] * m
            rows_v[e, sl1] = rows_v[e, sl1] * m
            return 0
        lax.fori_loop(0, EPB, se, 0)

        pltpu.sync_copy(rows_v, accS.at[dst_v], add=True)
        return 0
    lax.fori_loop(0, NCHUNK, chunk, 0)

    plsc.subcore_barrier()
    for k in range(NPS // EPB):
        r0 = s * NPS + k * EPB
        pltpu.sync_copy(accS.at[pl.ds(r0, EPB)],
                        out_h.at[pl.ds(c * NP + r0, EPB)])


_k4 = functools.partial(
    pl.kernel,
    out_type=jax.ShapeDtypeStruct((2 * NP, ROWS2), f32),
    mesh=_mesh,
    compiler_params=pltpu.CompilerParams(needs_layout_passes=False, use_tc_tiling_on_sc=False),
    scratch_types=[
        pltpu.VMEM((N,), f32),
        pltpu.VMEM((NP,), f32),
        pltpu.VMEM((EPB,), i32),
        pltpu.VMEM((EPB,), i32),
        pltpu.VMEM((EPB,), f32),
        pltpu.VMEM((EPB,), f32),
        pltpu.VMEM((EPB, ROWS2), f32),
        pltpu.VMEM_SHARED((NP, ROWS2), f32),
        pltpu.SemaphoreType.DMA,
    ],
)(_k4_body)


def _k5_body(acc2, b2, out):
    a0 = acc2[0]
    a1 = acc2[1]
    d0 = a0[:, 16:17]
    d1 = a1[:, 16:17]
    out[...] = jnp.concatenate(
        [a0[:, 0:16] / (d0 + 1e-16), a1[:, 0:16] / (d1 + 1e-16)],
        axis=1) + b2[...]


def _k5(acc2, b2):
    grid = N // _NB
    return pl.pallas_call(
        _k5_body,
        grid=(grid,),
        in_specs=[
            pl.BlockSpec((2, _NB, ROWS2), lambda i: (0, i, 0)),
            pl.BlockSpec((1, HID), lambda i: (0, 0)),
        ],
        out_specs=pl.BlockSpec((_NB, HID), lambda i: (i, 0)),
        out_shape=jax.ShapeDtypeStruct((N, HID), f32),
    )(acc2, b2)


def kernel(x, edge_index, edge_attr, W_se, b_se, W1, att_src1, att_dst1,
           W_e1, att_e1, b1, W2, att_src2, att_dst2, W_e2, att_e2, b2):
    m1 = (W_e1.reshape(EDGE_DIM, HEADS, HID) * att_e1[None]).sum(-1)
    m2 = (W_e2.reshape(EDGE_DIM, 1, HID) * att_e2[None]).sum(-1)
    eye_h = jnp.eye(HEADS, dtype=f32)
    ssrc = (eye_h[:, None, :] * att_src1[:, :, None]).reshape(HEADS * HID, HEADS)
    sdst = (eye_h[:, None, :] * att_dst1[:, :, None]).reshape(HEADS * HID, HEADS)
    eye4 = jnp.eye(4, dtype=f32)
    r4 = jnp.broadcast_to(eye4[:, :, None], (4, 4, HID)).reshape(4, 128)

    eal1T, eal2T, easum = _k1a(edge_attr.T, W_se.T,
                               b_se.reshape(EDGE_DIM, 1), m1.T, m2.T)
    ea_mean = easum[:, 0] / E
    loop1 = ea_mean @ m1
    loop2 = ea_mean @ m2

    htab, asrc, adst = _k1b(x, W1, ssrc, sdst)

    pad = EPAD - ETOT
    loop_ids = jnp.arange(N, dtype=i32)
    src_ext = jnp.concatenate(
        [edge_index[0], loop_ids, jnp.zeros((pad,), i32)])
    dst_ext = jnp.concatenate(
        [edge_index[1], loop_ids, jnp.full((pad,), N, i32)])
    eal1_ext = jnp.concatenate(
        [eal1T.reshape(2, 4, E),
         jnp.broadcast_to(loop1.reshape(2, 4, 1), (2, 4, N)),
         jnp.zeros((2, 4, pad), f32)], axis=2)
    eal1_r = (eal1_ext.reshape(2, 4, TOTC, EPB)
              .transpose(0, 2, 1, 3).reshape(2 * TOTC * 4, EPB))
    eal2_ext = jnp.concatenate(
        [eal2T[0], jnp.full((N,), loop2[0], f32), jnp.zeros((pad,), f32)])

    asrc_f = asrc.reshape(2 * N, 4)
    adst_p = jnp.concatenate(
        [adst, jnp.zeros((2, NP - N, 4), f32)], axis=1).reshape(2 * NP, 4)

    acc1 = _k2(src_ext, dst_ext, eal1_r, asrc_f, adst_p,
               htab.reshape(2 * N, ROWS1))

    h2x, a2s, a2d = _k3(acc1.reshape(2, NP, ROWS1), W2, r4,
                        b1.reshape(1, HEADS * HID),
                        att_src2.reshape(HID, 1), att_dst2.reshape(HID, 1))

    a2d_p = jnp.concatenate([a2d[:, 0], jnp.zeros((NP - N,), f32)], axis=0)

    acc2 = _k4(src_ext, dst_ext, eal2_ext, a2s[:, 0], a2d_p,
               h2x.reshape(2 * N, ROWS2))

    return _k5(acc2.reshape(2, NP, ROWS2), b2.reshape(1, HID))

# --- scband reference (transcript-rebuilt; emitter-appended) ---
"""Pipeline reference for scband-spatial-gat-17635135717842 (READ-ONLY COPY).

The authoritative reference and input builder live on the scoring server;
editing this copy changes nothing except your own understanding.
"""

import jax, jax.numpy as jnp
import numpy as np

N = 10000
E = 320000
D_IN = 128
HID = 32
HEADS = 8
EDGE_DIM = HID // 4  # 8


def _glorot(key, shape):
    fan_in = shape[0] if len(shape) > 1 else shape[0]
    return jax.random.normal(key, shape, dtype=jnp.float32) * (1.0 / np.sqrt(max(fan_in, 1)))


def setup_inputs(seed: int = 0):
    key = jax.random.key(seed)
    ks = jax.random.split(key, 20)
    x = jax.random.normal(ks[0], (N, D_IN), dtype=jnp.float32)
    edge_index = jax.random.randint(ks[1], (2, E), 0, N, dtype=jnp.int32)
    edge_attr = jax.random.normal(ks[2], (E, 2), dtype=jnp.float32)
    params = {
        'W_se': _glorot(ks[3], (2, EDGE_DIM)),
        'b_se': jnp.zeros((EDGE_DIM,), dtype=jnp.float32),
        'W1': _glorot(ks[4], (D_IN, HEADS * HID)),
        'att_src1': _glorot(ks[5], (HEADS, HID)),
        'att_dst1': _glorot(ks[6], (HEADS, HID)),
        'W_e1': _glorot(ks[7], (EDGE_DIM, HEADS * HID)),
        'att_e1': _glorot(ks[8], (HEADS, HID)),
        'b1': jnp.zeros((HEADS * HID,), dtype=jnp.float32),
        'W2': _glorot(ks[9], (HEADS * HID, HID)),
        'att_src2': _glorot(ks[10], (1, HID)),
        'att_dst2': _glorot(ks[11], (1, HID)),
        'W_e2': _glorot(ks[12], (EDGE_DIM, HID)),
        'att_e2': _glorot(ks[13], (1, HID)),
        'b2': jnp.zeros((HID,), dtype=jnp.float32),
    }
    out = {'x': x, 'edge_index': edge_index, 'edge_attr': edge_attr}
    out.update(params)
    return out


def _gat_conv(x, ei, ea, W, att_src, att_dst, W_e, att_e, bias, heads, out_ch, n_nodes):
    # PyG GATConv (eval mode): shared lin for src/dst, edge features, leaky_relu(0.2),
    # softmax over incoming edges per dst node, scatter-add aggregation, concat heads + bias.
    src, dst = ei[0], ei[1]
    h = (x @ W).reshape(n_nodes, heads, out_ch)
    a_src = (h * att_src).sum(-1)  # [N, H]
    a_dst = (h * att_dst).sum(-1)  # [N, H]
    e_feat = (ea @ W_e).reshape(-1, heads, out_ch)
    alpha = a_src[src] + a_dst[dst] + (e_feat * att_e).sum(-1)  # [E, H]
    alpha = jax.nn.leaky_relu(alpha, negative_slope=0.2)
    amax = jax.ops.segment_max(alpha, dst, num_segments=n_nodes)
    amax = jnp.where(jnp.isfinite(amax), amax, 0.0)
    amax = jax.lax.stop_gradient(amax)
    ex = jnp.exp(alpha - amax[dst])
    denom = jax.ops.segment_sum(ex, dst, num_segments=n_nodes)
    coef = ex / (denom[dst] + 1e-16)  # [E, H]
    msg = h[src] * coef[:, :, None]  # [E, H, C]
    out = jax.ops.segment_sum(msg, dst, num_segments=n_nodes)  # [N, H, C]
    return out.reshape(n_nodes, heads * out_ch) + bias


def reference(x, edge_index, edge_attr, W_se, b_se, W1, att_src1, att_dst1, W_e1, att_e1, b1,
              W2, att_src2, att_dst2, W_e2, att_e2, b2):
    # spatial embedding of edge attributes
    ea = jax.nn.relu(edge_attr @ W_se + b_se)  # [E, EDGE_DIM]
    # add self-loops (PyG GATConv default, fill_value='mean' for edge features)
    loop = jnp.arange(N, dtype=edge_index.dtype)
    ei = jnp.concatenate([edge_index, jnp.stack([loop, loop])], axis=1)
    ea_mean = ea.mean(axis=0)
    ea_full = jnp.concatenate([ea, jnp.broadcast_to(ea_mean, (N, EDGE_DIM))], axis=0)
    h1 = _gat_conv(x, ei, ea_full, W1, att_src1, att_dst1, W_e1, att_e1, b1, HEADS, HID, N)
    h1 = jax.nn.relu(h1)  # dropout inactive in eval
    out = _gat_conv(h1, ei, ea_full, W2, att_src2, att_dst2, W_e2, att_e2, b2, 1, HID, N)
    return out

if __name__ == "__main__":
    import jax
    _d = setup_inputs()
    print(jax.jit(kernel)(*tuple(_d.values())))

</pallas_src>

<mosaic_0001>
#map = affine_map<(d0, d1) -> (0)>
#map1 = affine_map<(d0, d1) -> (0, 0)>
module attributes {stable_mosaic.version = 14 : i64} {
  func.func @_k2_body(%arg0: i32, %arg1: i32, %arg2: memref<331776xi32, #tpu.memory_space<hbm>>, %arg3: memref<331776xi32, #tpu.memory_space<hbm>>, %arg4: memref<20736x128xf32, #tpu.memory_space<hbm>>, %arg5: memref<20000x4xf32, #tpu.memory_space<hbm>>, %arg6: memref<20480x4xf32, #tpu.memory_space<hbm>>, %arg7: memref<20000x144xf32, #tpu.memory_space<hbm>>, %arg8: memref<20480x144xf32, #tpu.memory_space<hbm>>, %arg9: memref<128xi32, #tpu.memory_space<vmem>>, %arg10: memref<128xi32, #tpu.memory_space<vmem>>, %arg11: memref<128xi32, #tpu.memory_space<vmem>>, %arg12: memref<128x4xf32, #tpu.memory_space<vmem>>, %arg13: memref<128x4xf32, #tpu.memory_space<vmem>>, %arg14: memref<4x128xf32, #tpu.memory_space<vmem>>, %arg15: memref<512xf32, #tpu.memory_space<vmem>>, %arg16: memref<128x144xf32, #tpu.memory_space<vmem>>, %arg17: memref<10240x144xf32, #tpu.memory_space<vmem_shared>>, %arg18: memref<!tpu.dma_semaphore, #tpu.memory_space<semaphore_mem>>) attributes {dimension_semantics = [#tpu.dimension_semantics<core_parallel>, #tpu.dimension_semantics<subcore_parallel>], iteration_bounds = array<i64: 2, 16>, scalar_prefetch = 0 : i64, scratch_operands = 10 : i64, tpu.core_type = #tpu.core_type<sc_vector_subcore>, window_params = [{transform_indices = #map}, {transform_indices = #map}, {transform_indices = #map1}, {transform_indices = #map1}, {transform_indices = #map1}, {transform_indices = #map1}, {transform_indices = #map1}]} {
    %mul3A = arith.constant 10000 : i32
    %mul3A_0 = arith.muli %arg0, %mul3A : i32
    %iota3A = tpu.iota {dimensions = array<i32: 0>} : vector<16xi32>
    %shift_right_arithmetic3A = arith.constant 2 : i32
    %shift_right_arithmetic3A_1 = vector.broadcast %shift_right_arithmetic3A : i32 to vector<16xi32>
    %shift_right_arithmetic3A_2 = arith.shrsi %iota3A, %shift_right_arithmetic3A_1 : vector<16xi32>
    %and3A = arith.constant 3 : i32
    %and3A_3 = vector.broadcast %and3A : i32 to vector<16xi32>
    %and3A_4 = arith.andi %iota3A, %and3A_3 : vector<16xi32>
    %scan3A = arith.constant 0 : i32
    %scan3A_5 = arith.constant 0 : i32
    %scan3A_6 = arith.constant 1152 : i32
    %scan3A_7 = arith.addi %scan3A_5, %scan3A_6 : i32
    %scan3A_8 = arith.constant 1 : i32
    %scan3A_9 = scf.for %scan3A_75 = %scan3A_5 to %scan3A_7 step %scan3A_8 iter_args(%scan3A_76 = %scan3A) -> (i32)  : i32 {
      %jit3A = arith.constant 9 : i32
      %div3A = arith.divsi %scan3A_75, %jit3A : i32
      %sign3A = arith.constant 0 : i32
      %sign3A_77 = arith.cmpi sgt, %scan3A_75, %sign3A : i32
      %sign3A_78 = arith.extui %sign3A_77 : i1 to i32
      %sign3A_79 = arith.constant 0 : i32
      %sign3A_80 = arith.cmpi slt, %scan3A_75, %sign3A_79 : i32
      %sign3A_81 = arith.extui %sign3A_80 : i1 to i32
      %sign3A_82 = arith.subi %sign3A_78, %sign3A_81 : i32
      %sign3A_83 = arith.constant 0 : i32
      %sign3A_84 = arith.cmpi sgt, %jit3A, %sign3A_83 : i32
      %sign3A_85 = arith.extui %sign3A_84 : i1 to i32
      %sign3A_86 = arith.constant 0 : i32
      %sign3A_87 = arith.cmpi slt, %jit3A, %sign3A_86 : i32
      %sign3A_88 = arith.extui %sign3A_87 : i1 to i32
      %sign3A_89 = arith.subi %sign3A_85, %sign3A_88 : i32
      %ne3A = arith.cmpi ne, %sign3A_82, %sign3A_89 : i32
      %rem3A = arith.remsi %scan3A_75, %jit3A : i32
      %ne3A_90 = arith.constant 0 : i32
      %ne3A_91 = arith.cmpi ne, %rem3A, %ne3A_90 : i32
      %and3A_92 = arith.andi %ne3A, %ne3A_91 : i1
      %sub3A = arith.constant 1 : i32
      %sub3A_93 = arith.subi %div3A, %sub3A : i32
      %select_n3A = arith.select %and3A_92, %sub3A_93, %div3A : i32
      %mul3A_94 = arith.constant 9 : i32
      %mul3A_95 = arith.muli %select_n3A, %mul3A_94 : i32
      %sub3A_96 = arith.subi %scan3A_75, %mul3A_95 : i32
      %broadcast_in_dim3A = arith.constant 0.000000e+00 : f32
      %broadcast_in_dim3A_97 = vector.broadcast %broadcast_in_dim3A : f32 to vector<16xf32>
      %mul3A_98 = arith.constant 16 : i32
      %mul3A_99 = arith.muli %sub3A_96, %mul3A_98 : i32
      %swap3A = arith.index_cast %select_n3A : i32 to index
      %swap3A_100 = arith.index_cast %mul3A_99 : i32 to index
      %swap3A_101 = tpu.vector_load %arg16[%swap3A, %swap3A_100] {strides = array<i32>} : memref<128x144xf32, #tpu.memory_space<vmem>>, vector<16xf32>,
      tpu.vector_store %arg16[%swap3A, %swap3A_100], %broadcast_in_dim3A_97 {strides = array<i32>} : memref<128x144xf32, #tpu.memory_space<vmem>>, vector<16xf32>,
      %scan3A_102 = arith.constant 0 : i32
      scf.yield %scan3A_102 : i32
    }
    %scan3A_10 = arith.constant 1152 : i32
    %mul3A_11 = arith.constant 640 : i32
    %mul3A_12 = arith.muli %arg1, %mul3A_11 : i32
    %add3A = arith.constant 0 : i32
    %add3A_13 = arith.addi %mul3A_12, %add3A : i32
    "tpu.region"() ({
      %run_scoped3A = tpu.sem_alloc : memref<!tpu.dma_semaphore, #tpu.memory_space<semaphore_mem>>
      %dma_start3A = arith.constant 0 : i32
      %dma_start3A_75 = tpu.memref_slice %arg17[%add3A_13, %dma_start3A] : memref<10240x144xf32, #tpu.memory_space<vmem_shared>> -> memref<128x144xf32, #tpu.memory_space<vmem_shared>>
      %dma_start3A_76 = arith.constant 0 : i32
      %dma_start3A_77 = tpu.memref_slice %arg17[%add3A_13, %dma_start3A_76] : memref<10240x144xf32, #tpu.memory_space<vmem_shared>> -> memref<128x144xf32, #tpu.memory_space<vmem_shared>>
      tpu.enqueue_dma source(%arg16 : memref<128x144xf32, #tpu.memory_space<vmem>>) target(%dma_start3A_77 : memref<128x144xf32, #tpu.memory_space<vmem_shared>>) target_semaphore(%run_scoped3A : memref<!tpu.dma_semaphore, #tpu.memory_space<semaphore_mem>>)
      %dma_wait3A = arith.constant 0 : i32
      %dma_wait3A_78 = tpu.memref_slice %arg17[%add3A_13, %dma_wait3A] : memref<10240x144xf32, #tpu.memory_space<vmem_shared>> -> memref<128x144xf32, #tpu.memory_space<vmem_shared>>
      %dma_wait3A_79 = arith.constant 0 : i32
      %dma_wait3A_80 = tpu.memref_slice %arg17[%add3A_13, %dma_wait3A_79] : memref<10240x144xf32, #tpu.memory_space<vmem_shared>> -> memref<128x144xf32, #tpu.memory_space<vmem_shared>>
      tpu.wait_dma2 semaphore(%run_scoped3A : memref<!tpu.dma_semaphore, #tpu.memory_space<semaphore_mem>>) src(%arg16 : memref<128x144xf32, #tpu.memory_space<vmem>>) dst(%dma_wait3A_80 : memref<128x144xf32, #tpu.memory_space<vmem_shared>>)
      tpu.yield
    }) : () -> ()
    %mul3A_14 = arith.constant 640 : i32
    %mul3A_15 = arith.muli %arg1, %mul3A_14 : i32
    %add3A_16 = arith.constant 128 : i32
    %add3A_17 = arith.addi %mul3A_15, %add3A_16 : i32
    "tpu.region"() ({
      %run_scoped3A = tpu.sem_alloc : memref<!tpu.dma_semaphore, #tpu.memory_space<semaphore_mem>>
      %dma_start3A = arith.constant 0 : i32
      %dma_start3A_75 = tpu.memref_slice %arg17[%add3A_17, %dma_start3A] : memref<10240x144xf32, #tpu.memory_space<vmem_shared>> -> memref<128x144xf32, #tpu.memory_space<vmem_shared>>
      %dma_start3A_76 = arith.constant 0 : i32
      %dma_start3A_77 = tpu.memref_slice %arg17[%add3A_17, %dma_start3A_76] : memref<10240x144xf32, #tpu.memory_space<vmem_shared>> -> memref<128x144xf32, #tpu.memory_space<vmem_shared>>
      tpu.enqueue_dma source(%arg16 : memref<128x144xf32, #tpu.memory_space<vmem>>) target(%dma_start3A_77 : memref<128x144xf32, #tpu.memory_space<vmem_shared>>) target_semaphore(%run_scoped3A : memref<!tpu.dma_semaphore, #tpu.memory_space<semaphore_mem>>)
      %dma_wait3A = arith.constant 0 : i32
      %dma_wait3A_78 = tpu.memref_slice %arg17[%add3A_17, %dma_wait3A] : memref<10240x144xf32, #tpu.memory_space<vmem_shared>> -> memref<128x144xf32, #tpu.memory_space<vmem_shared>>
      %dma_wait3A_79 = arith.constant 0 : i32
      %dma_wait3A_80 = tpu.memref_slice %arg17[%add3A_17, %dma_wait3A_79] : memref<10240x144xf32, #tpu.memory_space<vmem_shared>> -> memref<128x144xf32, #tpu.memory_space<vmem_shared>>
      tpu.wait_dma2 semaphore(%run_scoped3A : memref<!tpu.dma_semaphore, #tpu.memory_space<semaphore_mem>>) src(%arg16 : memref<128x144xf32, #tpu.memory_space<vmem>>) dst(%dma_wait3A_80 : memref<128x144xf32, #tpu.memory_space<vmem_shared>>)
      tpu.yield
    }) : () -> ()
    %mul3A_18 = arith.constant 640 : i32
    %mul3A_19 = arith.muli %arg1, %mul3A_18 : i32
    %add3A_20 = arith.constant 256 : i32
    %add3A_21 = arith.addi %mul3A_19, %add3A_20 : i32
    "tpu.region"() ({
      %run_scoped3A = tpu.sem_alloc : memref<!tpu.dma_semaphore, #tpu.memory_space<semaphore_mem>>
      %dma_start3A = arith.constant 0 : i32
      %dma_start3A_75 = tpu.memref_slice %arg17[%add3A_21, %dma_start3A] : memref<10240x144xf32, #tpu.memory_space<vmem_shared>> -> memref<128x144xf32, #tpu.memory_space<vmem_shared>>
      %dma_start3A_76 = arith.constant 0 : i32
      %dma_start3A_77 = tpu.memref_slice %arg17[%add3A_21, %dma_start3A_76] : memref<10240x144xf32, #tpu.memory_space<vmem_shared>> -> memref<128x144xf32, #tpu.memory_space<vmem_shared>>
      tpu.enqueue_dma source(%arg16 : memref<128x144xf32, #tpu.memory_space<vmem>>) target(%dma_start3A_77 : memref<128x144xf32, #tpu.memory_space<vmem_shared>>) target_semaphore(%run_scoped3A : memref<!tpu.dma_semaphore, #tpu.memory_space<semaphore_mem>>)
      %dma_wait3A = arith.constant 0 : i32
      %dma_wait3A_78 = tpu.memref_slice %arg17[%add3A_21, %dma_wait3A] : memref<10240x144xf32, #tpu.memory_space<vmem_shared>> -> memref<128x144xf32, #tpu.memory_space<vmem_shared>>
      %dma_wait3A_79 = arith.constant 0 : i32
      %dma_wait3A_80 = tpu.memref_slice %arg17[%add3A_21, %dma_wait3A_79] : memref<10240x144xf32, #tpu.memory_space<vmem_shared>> -> memref<128x144xf32, #tpu.memory_space<vmem_shared>>
      tpu.wait_dma2 semaphore(%run_scoped3A : memref<!tpu.dma_semaphore, #tpu.memory_space<semaphore_mem>>) src(%arg16 : memref<128x144xf32, #tpu.memory_space<vmem>>) dst(%dma_wait3A_80 : memref<128x144xf32, #tpu.memory_space<vmem_shared>>)
      tpu.yield
    }) : () -> ()
    %mul3A_22 = arith.constant 640 : i32
    %mul3A_23 = arith.muli %arg1, %mul3A_22 : i32
    %add3A_24 = arith.constant 384 : i32
    %add3A_25 = arith.addi %mul3A_23, %add3A_24 : i32
    "tpu.region"() ({
      %run_scoped3A = tpu.sem_alloc : memref<!tpu.dma_semaphore, #tpu.memory_space<semaphore_mem>>
      %dma_start3A = arith.constant 0 : i32
      %dma_start3A_75 = tpu.memref_slice %arg17[%add3A_25, %dma_start3A] : memref<10240x144xf32, #tpu.memory_space<vmem_shared>> -> memref<128x144xf32, #tpu.memory_space<vmem_shared>>
      %dma_start3A_76 = arith.constant 0 : i32
      %dma_start3A_77 = tpu.memref_slice %arg17[%add3A_25, %dma_start3A_76] : memref<10240x144xf32, #tpu.memory_space<vmem_shared>> -> memref<128x144xf32, #tpu.memory_space<vmem_shared>>
      tpu.enqueue_dma source(%arg16 : memref<128x144xf32, #tpu.memory_space<vmem>>) target(%dma_start3A_77 : memref<128x144xf32, #tpu.memory_space<vmem_shared>>) target_semaphore(%run_scoped3A : memref<!tpu.dma_semaphore, #tpu.memory_space<semaphore_mem>>)
      %dma_wait3A = arith.constant 0 : i32
      %dma_wait3A_78 = tpu.memref_slice %arg17[%add3A_25, %dma_wait3A] : memref<10240x144xf32, #tpu.memory_space<vmem_shared>> -> memref<128x144xf32, #tpu.memory_space<vmem_shared>>
      %dma_wait3A_79 = arith.constant 0 : i32
      %dma_wait3A_80 = tpu.memref_slice %arg17[%add3A_25, %dma_wait3A_79] : memref<10240x144xf32, #tpu.memory_space<vmem_shared>> -> memref<128x144xf32, #tpu.memory_space<vmem_shared>>
      tpu.wait_dma2 semaphore(%run_scoped3A : memref<!tpu.dma_semaphore, #tpu.memory_space<semaphore_mem>>) src(%arg16 : memref<128x144xf32, #tpu.memory_space<vmem>>) dst(%dma_wait3A_80 : memref<128x144xf32, #tpu.memory_space<vmem_shared>>)
      tpu.yield
    }) : () -> ()
    %mul3A_26 = arith.constant 640 : i32
    %mul3A_27 = arith.muli %arg1, %mul3A_26 : i32
    %add3A_28 = arith.constant 512 : i32
    %add3A_29 = arith.addi %mul3A_27, %add3A_28 : i32
    "tpu.region"() ({
      %run_scoped3A = tpu.sem_alloc : memref<!tpu.dma_semaphore, #tpu.memory_space<semaphore_mem>>
      %dma_start3A = arith.constant 0 : i32
      %dma_start3A_75 = tpu.memref_slice %arg17[%add3A_29, %dma_start3A] : memref<10240x144xf32, #tpu.memory_space<vmem_shared>> -> memref<128x144xf32, #tpu.memory_space<vmem_shared>>
      %dma_start3A_76 = arith.constant 0 : i32
      %dma_start3A_77 = tpu.memref_slice %arg17[%add3A_29, %dma_start3A_76] : memref<10240x144xf32, #tpu.memory_space<vmem_shared>> -> memref<128x144xf32, #tpu.memory_space<vmem_shared>>
      tpu.enqueue_dma source(%arg16 : memref<128x144xf32, #tpu.memory_space<vmem>>) target(%dma_start3A_77 : memref<128x144xf32, #tpu.memory_space<vmem_shared>>) target_semaphore(%run_scoped3A : memref<!tpu.dma_semaphore, #tpu.memory_space<semaphore_mem>>)
      %dma_wait3A = arith.constant 0 : i32
      %dma_wait3A_78 = tpu.memref_slice %arg17[%add3A_29, %dma_wait3A] : memref<10240x144xf32, #tpu.memory_space<vmem_shared>> -> memref<128x144xf32, #tpu.memory_space<vmem_shared>>
      %dma_wait3A_79 = arith.constant 0 : i32
      %dma_wait3A_80 = tpu.memref_slice %arg17[%add3A_29, %dma_wait3A_79] : memref<10240x144xf32, #tpu.memory_space<vmem_shared>> -> memref<128x144xf32, #tpu.memory_space<vmem_shared>>
      tpu.wait_dma2 semaphore(%run_scoped3A : memref<!tpu.dma_semaphore, #tpu.memory_space<semaphore_mem>>) src(%arg16 : memref<128x144xf32, #tpu.memory_space<vmem>>) dst(%dma_wait3A_80 : memref<128x144xf32, #tpu.memory_space<vmem_shared>>)
      tpu.yield
    }) : () -> ()
    %barrier3A = arith.constant 0 : index
    tpu.barrier barrier_id(%barrier3A)
    %mul3A_30 = arith.constant 20736 : i32
    %mul3A_31 = arith.muli %arg1, %mul3A_30 : i32
    %scan3A_32 = arith.constant 0 : i32
    %scan3A_33 = arith.constant 0 : i32
    %scan3A_34 = arith.constant 162 : i32
    %scan3A_35 = arith.addi %scan3A_33, %scan3A_34 : i32
    %scan3A_36 = arith.constant 1 : i32
    %scan3A_37 = scf.for %scan3A_75 = %scan3A_33 to %scan3A_35 step %scan3A_36 iter_args(%scan3A_76 = %scan3A_32) -> (i32)  : i32 {
      %mul3A_77 = arith.constant 128 : i32
      %mul3A_78 = arith.muli %scan3A_75, %mul3A_77 : i32
      %add3A_79 = arith.addi %mul3A_31, %mul3A_78 : i32
      %mul3A_80 = arith.constant 162 : i32
      %mul3A_81 = arith.muli %arg1, %mul3A_80 : i32
      %add3A_82 = arith.addi %mul3A_81, %scan3A_75 : i32
      "tpu.region"() ({
        %run_scoped3A = tpu.sem_alloc : memref<!tpu.dma_semaphore, #tpu.memory_space<semaphore_mem>>
        %dma_start3A_126 = tpu.memref_slice %arg2[%add3A_79] : memref<331776xi32, #tpu.memory_space<hbm>> -> memref<128xi32, #tpu.memory_space<hbm>>
        %dma_start3A_127 = tpu.memref_slice %arg2[%add3A_79] : memref<331776xi32, #tpu.memory_space<hbm>> -> memref<128xi32, #tpu.memory_space<hbm>>
        tpu.enqueue_dma source(%dma_start3A_127 : memref<128xi32, #tpu.memory_space<hbm>>) target(%arg9 : memref<128xi32, #tpu.memory_space<vmem>>) target_semaphore(%run_scoped3A : memref<!tpu.dma_semaphore, #tpu.memory_space<semaphore_mem>>)
        %dma_wait3A_128 = tpu.memref_slice %arg2[%add3A_79] : memref<331776xi32, #tpu.memory_space<hbm>> -> memref<128xi32, #tpu.memory_space<hbm>>
        %dma_wait3A_129 = tpu.memref_slice %arg2[%add3A_79] : memref<331776xi32, #tpu.memory_space<hbm>> -> memref<128xi32, #tpu.memory_space<hbm>>
        tpu.wait_dma2 semaphore(%run_scoped3A : memref<!tpu.dma_semaphore, #tpu.memory_space<semaphore_mem>>) src(%dma_wait3A_129 : memref<128xi32, #tpu.memory_space<hbm>>) dst(%arg9 : memref<128xi32, #tpu.memory_space<vmem>>)
        tpu.yield
      }) : () -> ()
      "tpu.region"() ({
        %run_scoped3A = tpu.sem_alloc : memref<!tpu.dma_semaphore, #tpu.memory_space<semaphore_mem>>
        %dma_start3A_126 = tpu.memref_slice %arg3[%add3A_79] : memref<331776xi32, #tpu.memory_space<hbm>> -> memref<128xi32, #tpu.memory_space<hbm>>
        %dma_start3A_127 = tpu.memref_slice %arg3[%add3A_79] : memref<331776xi32, #tpu.memory_space<hbm>> -> memref<128xi32, #tpu.memory_space<hbm>>
        tpu.enqueue_dma source(%dma_start3A_127 : memref<128xi32, #tpu.memory_space<hbm>>) target(%arg10 : memref<128xi32, #tpu.memory_space<vmem>>) target_semaphore(%run_scoped3A : memref<!tpu.dma_semaphore, #tpu.memory_space<semaphore_mem>>)
        %dma_wait3A_128 = tpu.memref_slice %arg3[%add3A_79] : memref<331776xi32, #tpu.memory_space<hbm>> -> memref<128xi32, #tpu.memory_space<hbm>>
        %dma_wait3A_129 = tpu.memref_slice %arg3[%add3A_79] : memref<331776xi32, #tpu.memory_space<hbm>> -> memref<128xi32, #tpu.memory_space<hbm>>
        tpu.wait_dma2 semaphore(%run_scoped3A : memref<!tpu.dma_semaphore, #tpu.memory_space<semaphore_mem>>) src(%dma_wait3A_129 : memref<128xi32, #tpu.memory_space<hbm>>) dst(%arg10 : memref<128xi32, #tpu.memory_space<vmem>>)
        tpu.yield
      }) : () -> ()
      %mul3A_83 = arith.constant 2592 : i32
      %mul3A_84 = arith.muli %arg0, %mul3A_83 : i32
      %add3A_85 = arith.addi %mul3A_84, %add3A_82 : i32
      %mul3A_86 = arith.constant 4 : i32
      %mul3A_87 = arith.muli %add3A_85, %mul3A_86 : i32
      "tpu.region"() ({
        %run_scoped3A = tpu.sem_alloc : memref<!tpu.dma_semaphore, #tpu.memory_space<semaphore_mem>>
        %dma_start3A_126 = arith.constant 0 : i32
        %dma_start3A_127 = tpu.memref_slice %arg4[%mul3A_87, %dma_start3A_126] : memref<20736x128xf32, #tpu.memory_space<hbm>> -> memref<4x128xf32, #tpu.memory_space<hbm>>
        %dma_start3A_128 = arith.constant 0 : i32
        %dma_start3A_129 = tpu.memref_slice %arg4[%mul3A_87, %dma_start3A_128] : memref<20736x128xf32, #tpu.memory_space<hbm>> -> memref<4x128xf32, #tpu.memory_space<hbm>>
        tpu.enqueue_dma source(%dma_start3A_129 : memref<4x128xf32, #tpu.memory_space<hbm>>) target(%arg14 : memref<4x128xf32, #tpu.memory_space<vmem>>) target_semaphore(%run_scoped3A : memref<!tpu.dma_semaphore, #tpu.memory_space<semaphore_mem>>)
        %dma_wait3A_130 = arith.constant 0 : i32
        %dma_wait3A_131 = tpu.memref_slice %arg4[%mul3A_87, %dma_wait3A_130] : memref<20736x128xf32, #tpu.memory_space<hbm>> -> memref<4x128xf32, #tpu.memory_space<hbm>>
        %dma_wait3A_132 = arith.constant 0 : i32
        %dma_wait3A_133 = tpu.memref_slice %arg4[%mul3A_87, %dma_wait3A_132] : memref<20736x128xf32, #tpu.memory_space<hbm>> -> memref<4x128xf32, #tpu.memory_space<hbm>>
        tpu.wait_dma2 semaphore(%run_scoped3A : memref<!tpu.dma_semaphore, #tpu.memory_space<semaphore_mem>>) src(%dma_wait3A_133 : memref<4x128xf32, #tpu.memory_space<hbm>>) dst(%arg14 : memref<4x128xf32, #tpu.memory_space<vmem>>)
        tpu.yield
      }) : () -> ()
      %scan3A_88 = arith.constant 0 : i32
      %scan3A_89 = arith.constant 0 : i32
      %scan3A_90 = arith.constant 8 : i32
      %scan3A_91 = arith.addi %scan3A_89, %scan3A_90 : i32
      %scan3A_92 = arith.constant 1 : i32
      %scan3A_93 = scf.for %scan3A_126 = %scan3A_89 to %scan3A_91 step %scan3A_92 iter_args(%scan3A_127 = %scan3A_88) -> (i32)  : i32 {
        %mul3A_128 = arith.constant 16 : i32
        %mul3A_129 = arith.muli %scan3A_126, %mul3A_128 : i32
        %get3A = arith.index_cast %mul3A_129 : i32 to index
        %get3A_130 = tpu.vector_load %arg9[%get3A] {strides = array<i32>} : memref<128xi32, #tpu.memory_space<vmem>>, vector<16xi32>,
        %add3A_131 = vector.broadcast %mul3A_0 : i32 to vector<16xi32>
        %add3A_132 = arith.addi %get3A_130, %add3A_131 : vector<16xi32>
        %swap3A = arith.index_cast %mul3A_129 : i32 to index
        %swap3A_133 = tpu.vector_load %arg9[%swap3A] {strides = array<i32>} : memref<128xi32, #tpu.memory_space<vmem>>, vector<16xi32>,
        tpu.vector_store %arg9[%swap3A], %add3A_132 {strides = array<i32>} : memref<128xi32, #tpu.memory_space<vmem>>, vector<16xi32>,
        %get3A_134 = arith.index_cast %mul3A_129 : i32 to index
        %get3A_135 = tpu.vector_load %arg10[%get3A_134] {strides = array<i32>} : memref<128xi32, #tpu.memory_space<vmem>>, vector<16xi32>,
        %mul3A_136 = arith.constant 10240 : i32
        %mul3A_137 = arith.muli %arg0, %mul3A_136 : i32
        %add3A_138 = vector.broadcast %mul3A_137 : i32 to vector<16xi32>
        %add3A_139 = arith.addi %get3A_135, %add3A_138 : vector<16xi32>
        %swap3A_140 = arith.index_cast %mul3A_129 : i32 to index
        %swap3A_141 = tpu.vector_load %arg11[%swap3A_140] {strides = array<i32>} : memref<128xi32, #tpu.memory_space<vmem>>, vector<16xi32>,
        tpu.vector_store %arg11[%swap3A_140], %add3A_139 {strides = array<i32>} : memref<128xi32, #tpu.memory_space<vmem>>, vector<16xi32>,
        %scan3A_142 = arith.constant 0 : i32
        scf.yield %scan3A_142 : i32
      }
      %scan3A_94 = arith.constant 8 : i32
      %dma_start3A = arith.constant 0 : i32
      %dma_start3A_95 = arith.constant 0 : i32
      %dma_start3A_96 = tpu.memref_slice %arg5[%dma_start3A, %dma_start3A_95] : memref<20000x4xf32, #tpu.memory_space<hbm>> -> memref<20000x4xf32, #tpu.memory_space<hbm>>
      tpu.enqueue_indirect_dma source(%dma_start3A_96 : memref<20000x4xf32, #tpu.memory_space<hbm>>) target(%arg12 : memref<128x4xf32, #tpu.memory_space<vmem>>) offsets(%arg9 : memref<128xi32, #tpu.memory_space<vmem>>) semaphore(%arg18 : memref<!tpu.dma_semaphore, #tpu.memory_space<semaphore_mem>>)
      %dma_start3A_97 = arith.constant 0 : i32
      %dma_start3A_98 = arith.constant 0 : i32
      %dma_start3A_99 = tpu.memref_slice %arg6[%dma_start3A_97, %dma_start3A_98] : memref<20480x4xf32, #tpu.memory_space<hbm>> -> memref<20480x4xf32, #tpu.memory_space<hbm>>
      tpu.enqueue_indirect_dma source(%dma_start3A_99 : memref<20480x4xf32, #tpu.memory_space<hbm>>) target(%arg13 : memref<128x4xf32, #tpu.memory_space<vmem>>) offsets(%arg11 : memref<128xi32, #tpu.memory_space<vmem>>) semaphore(%arg18 : memref<!tpu.dma_semaphore, #tpu.memory_space<semaphore_mem>>)
      %dma_start3A_100 = arith.constant 0 : i32
      %dma_start3A_101 = arith.constant 0 : i32
      %dma_start3A_102 = tpu.memref_slice %arg7[%dma_start3A_100, %dma_start3A_101] : memref<20000x144xf32, #tpu.memory_space<hbm>> -> memref<20000x144xf32, #tpu.memory_space<hbm>>
      tpu.enqueue_indirect_dma source(%dma_start3A_102 : memref<20000x144xf32, #tpu.memory_space<hbm>>) target(%arg16 : memref<128x144xf32, #tpu.memory_space<vmem>>) offsets(%arg9 : memref<128xi32, #tpu.memory_space<vmem>>) semaphore(%arg18 : memref<!tpu.dma_semaphore, #tpu.memory_space<semaphore_mem>>)
      %dma_wait3A = arith.constant 0 : i32
      %dma_wait3A_103 = arith.constant 0 : i32
      %dma_wait3A_104 = tpu.memref_slice %arg5[%dma_wait3A, %dma_wait3A_103] : memref<20000x4xf32, #tpu.memory_space<hbm>> -> memref<20000x4xf32, #tpu.memory_space<hbm>>
      tpu.wait_indirect_dma semaphore(%arg18 : memref<!tpu.dma_semaphore, #tpu.memory_space<semaphore_mem>>) src(%dma_wait3A_104 : memref<20000x4xf32, #tpu.memory_space<hbm>>) dst(%arg12 : memref<128x4xf32, #tpu.memory_space<vmem>>)
      %dma_wait3A_105 = arith.constant 0 : i32
      %dma_wait3A_106 = arith.constant 0 : i32
      %dma_wait3A_107 = tpu.memref_slice %arg6[%dma_wait3A_105, %dma_wait3A_106] : memref<20480x4xf32, #tpu.memory_space<hbm>> -> memref<20480x4xf32, #tpu.memory_space<hbm>>
      tpu.wait_indirect_dma semaphore(%arg18 : memref<!tpu.dma_semaphore, #tpu.memory_space<semaphore_mem>>) src(%dma_wait3A_107 : memref<20480x4xf32, #tpu.memory_space<hbm>>) dst(%arg13 : memref<128x4xf32, #tpu.memory_space<vmem>>)
      %dma_wait3A_108 = arith.constant 0 : i32
      %dma_wait3A_109 = arith.constant 0 : i32
      %dma_wait3A_110 = tpu.memref_slice %arg7[%dma_wait3A_108, %dma_wait3A_109] : memref<20000x144xf32, #tpu.memory_space<hbm>> -> memref<20000x144xf32, #tpu.memory_space<hbm>>
      tpu.wait_indirect_dma semaphore(%arg18 : memref<!tpu.dma_semaphore, #tpu.memory_space<semaphore_mem>>) src(%dma_wait3A_110 : memref<20000x144xf32, #tpu.memory_space<hbm>>) dst(%arg16 : memref<128x144xf32, #tpu.memory_space<vmem>>)
      %scan3A_111 = arith.constant 0 : i32
      %scan3A_112 = arith.constant 0 : i32
      %scan3A_113 = arith.constant 32 : i32
      %scan3A_114 = arith.addi %scan3A_112, %scan3A_113 : i32
      %scan3A_115 = arith.constant 1 : i32
      %scan3A_116 = scf.for %scan3A_126 = %scan3A_112 to %scan3A_114 step %scan3A_115 iter_args(%scan3A_127 = %scan3A_111) -> (i32)  : i32 {
        %mul3A_128 = arith.constant 4 : i32
        %mul3A_129 = arith.muli %scan3A_126, %mul3A_128 : i32
        %add3A_130 = vector.broadcast %mul3A_129 : i32 to vector<16xi32>
        %add3A_131 = arith.addi %add3A_130, %shift_right_arithmetic3A_2 : vector<16xi32>
        %mul3A_132 = arith.constant 16 : i32
        %mul3A_133 = arith.muli %scan3A_126, %mul3A_132 : i32
        %gather3A = tpu.vector_load_idx %arg12[%add3A_131, %and3A_4] : memref<128x4xf32, #tpu.memory_space<vmem>>[vector<16xi32>, vector<16xi32>], vector<16xf32>,
        %gather3A_134 = tpu.vector_load_idx %arg13[%add3A_131, %and3A_4] : memref<128x4xf32, #tpu.memory_space<vmem>>[vector<16xi32>, vector<16xi32>], vector<16xf32>,
        %gather3A_135 = tpu.vector_load_idx %arg14[%and3A_4, %add3A_131] : memref<4x128xf32, #tpu.memory_space<vmem>>[vector<16xi32>, vector<16xi32>], vector<16xf32>,
        %add3A_136 = arith.addf %gather3A, %gather3A_134 : vector<16xf32>
        %add3A_137 = arith.addf %add3A_136, %gather3A_135 : vector<16xf32>
        %gt3A = arith.constant 0.000000e+00 : f32
        %gt3A_138 = vector.broadcast %gt3A : f32 to vector<16xf32>
        %gt3A_139 = arith.cmpf ogt, %add3A_137, %gt3A_138 : vector<16xf32>
        %mul3A_140 = arith.constant 2.000000e-01 : f32
        %mul3A_141 = vector.broadcast %mul3A_140 : f32 to vector<16xf32>
        %mul3A_142 = arith.mulf %add3A_137, %mul3A_141 : vector<16xf32>
        %select_n3A = arith.select %gt3A_139, %add3A_137, %mul3A_142 : vector<16xi1>, vector<16xf32>
        %exp3A = math.exp %select_n3A : vector<16xf32>
        %swap3A = arith.index_cast %mul3A_133 : i32 to index
        %swap3A_143 = tpu.vector_load %arg15[%swap3A] {strides = array<i32>} : memref<512xf32, #tpu.memory_space<vmem>>, vector<16xf32>,
        tpu.vector_store %arg15[%swap3A], %exp3A {strides = array<i32>} : memref<512xf32, #tpu.memory_space<vmem>>, vector<16xf32>,
        %scan3A_144 = arith.constant 0 : i32
        scf.yield %scan3A_144 : i32
      }
      %scan3A_117 = arith.constant 32 : i32
      %scan3A_118 = arith.constant 0 : i32
      %scan3A_119 = arith.constant 0 : i32
      %scan3A_120 = arith.constant 128 : i32
      %scan3A_121 = arith.addi %scan3A_119, %scan3A_120 : i32
      %scan3A_122 = arith.constant 1 : i32
      %scan3A_123 = scf.for %scan3A_126 = %scan3A_119 to %scan3A_121 step %scan3A_122 iter_args(%scan3A_127 = %scan3A_118) -> (i32)  : i32 {
        %mul3A_128 = arith.constant 4 : i32
        %mul3A_129 = arith.muli %scan3A_126, %mul3A_128 : i32
        %broadcast_in_dim3A = vector.broadcast %mul3A_129 : i32 to vector<16xi32>
        %add3A_130 = arith.constant 0 : i32
        %add3A_131 = vector.broadcast %add3A_130 : i32 to vector<16xi32>
        %add3A_132 = arith.addi %broadcast_in_dim3A, %add3A_131 : vector<16xi32>
        %gather3A = tpu.vector_load_idx %arg15[%add3A_132] : memref<512xf32, #tpu.memory_space<vmem>>[vector<16xi32>], vector<16xf32>,
        %get3A = arith.index_cast %scan3A_126 : i32 to index
        %get3A_133 = arith.constant 0 : index
        %get3A_134 = tpu.vector_load %arg16[%get3A, %get3A_133] {strides = array<i32>} : memref<128x144xf32, #tpu.memory_space<vmem>>, vector<16xf32>,
        %mul3A_135 = arith.mulf %get3A_134, %gather3A : vector<16xf32>
        %swap3A = arith.index_cast %scan3A_126 : i32 to index
        %swap3A_136 = arith.constant 0 : index
        %swap3A_137 = tpu.vector_load %arg16[%swap3A, %swap3A_136] {strides = array<i32>} : memref<128x144xf32, #tpu.memory_space<vmem>>, vector<16xf32>,
        tpu.vector_store %arg16[%swap3A, %swap3A_136], %mul3A_135 {strides = array<i32>} : memref<128x144xf32, #tpu.memory_space<vmem>>, vector<16xf32>,
        %get3A_138 = arith.index_cast %scan3A_126 : i32 to index
        %get3A_139 = arith.constant 16 : index
        %get3A_140 = tpu.vector_load %arg16[%get3A_138, %get3A_139] {strides = array<i32>} : memref<128x144xf32, #tpu.memory_space<vmem>>, vector<16xf32>,
        %mul3A_141 = arith.mulf %get3A_140, %gather3A : vector<16xf32>
        %swap3A_142 = arith.index_cast %scan3A_126 : i32 to index
        %swap3A_143 = arith.constant 16 : index
        %swap3A_144 = tpu.vector_load %arg16[%swap3A_142, %swap3A_143] {strides = array<i32>} : memref<128x144xf32, #tpu.memory_space<vmem>>, vector<16xf32>,
        tpu.vector_store %arg16[%swap3A_142, %swap3A_143], %mul3A_141 {strides = array<i32>} : memref<128x144xf32, #tpu.memory_space<vmem>>, vector<16xf32>,
        %add3A_145 = arith.constant 1 : i32
        %add3A_146 = vector.broadcast %add3A_145 : i32 to vector<16xi32>
        %add3A_147 = arith.addi %broadcast_in_dim3A, %add3A_146 : vector<16xi32>
        %gather3A_148 = tpu.vector_load_idx %arg15[%add3A_147] : memref<512xf32, #tpu.memory_space<vmem>>[vector<16xi32>], vector<16xf32>,
        %get3A_149 = arith.index_cast %scan3A_126 : i32 to index
        %get3A_150 = arith.constant 32 : index
        %get3A_151 = tpu.vector_load %arg16[%get3A_149, %get3A_150] {strides = array<i32>} : memref<128x144xf32, #tpu.memory_space<vmem>>, vector<16xf32>,
        %mul3A_152 = arith.mulf %get3A_151, %gather3A_148 : vector<16xf32>
        %swap3A_153 = arith.index_cast %scan3A_126 : i32 to index
        %swap3A_154 = arith.constant 32 : index
        %swap3A_155 = tpu.vector_load %arg16[%swap3A_153, %swap3A_154] {strides = array<i32>} : memref<128x144xf32, #tpu.memory_space<vmem>>, vector<16xf32>,
        tpu.vector_store %arg16[%swap3A_153, %swap3A_154], %mul3A_152 {strides = array<i32>} : memref<128x144xf32, #tpu.memory_space<vmem>>, vector<16xf32>,
        %get3A_156 = arith.index_cast %scan3A_126 : i32 to index
        %get3A_157 = arith.constant 48 : index
        %get3A_158 = tpu.vector_load %arg16[%get3A_156, %get3A_157] {strides = array<i32>} : memref<128x144xf32, #tpu.memory_space<vmem>>, vector<16xf32>,
        %mul3A_159 = arith.mulf %get3A_158, %gather3A_148 : vector<16xf32>
        %swap3A_160 = arith.index_cast %scan3A_126 : i32 to index
        %swap3A_161 = arith.constant 48 : index
        %swap3A_162 = tpu.vector_load %arg16[%swap3A_160, %swap3A_161] {strides = array<i32>} : memref<128x144xf32, #tpu.memory_space<vmem>>, vector<16xf32>,
        tpu.vector_store %arg16[%swap3A_160, %swap3A_161], %mul3A_159 {strides = array<i32>} : memref<128x144xf32, #tpu.memory_space<vmem>>, vector<16xf32>,
        %add3A_163 = arith.constant 2 : i32
        %add3A_164 = vector.broadcast %add3A_163 : i32 to vector<16xi32>
        %add3A_165 = arith.addi %broadcast_in_dim3A, %add3A_164 : vector<16xi32>
        %gather3A_166 = tpu.vector_load_idx %arg15[%add3A_165] : memref<512xf32, #tpu.memory_space<vmem>>[vector<16xi32>], vector<16xf32>,
        %get3A_167 = arith.index_cast %scan3A_126 : i32 to index
        %get3A_168 = arith.constant 64 : index
        %get3A_169 = tpu.vector_load %arg16[%get3A_167, %get3A_168] {strides = array<i32>} : memref<128x144xf32, #tpu.memory_space<vmem>>, vector<16xf32>,
        %mul3A_170 = arith.mulf %get3A_169, %gather3A_166 : vector<16xf32>
        %swap3A_171 = arith.index_cast %scan3A_126 : i32 to index
        %swap3A_172 = arith.constant 64 : index
        %swap3A_173 = tpu.vector_load %arg16[%swap3A_171, %swap3A_172] {strides = array<i32>} : memref<128x144xf32, #tpu.memory_space<vmem>>, vector<16xf32>,
        tpu.vector_store %arg16[%swap3A_171, %swap3A_172], %mul3A_170 {strides = array<i32>} : memref<128x144xf32, #tpu.memory_space<vmem>>, vector<16xf32>,
        %get3A_174 = arith.index_cast %scan3A_126 : i32 to index
        %get3A_175 = arith.constant 80 : index
        %get3A_176 = tpu.vector_load %arg16[%get3A_174, %get3A_175] {strides = array<i32>} : memref<128x144xf32, #tpu.memory_space<vmem>>, vector<16xf32>,
        %mul3A_177 = arith.mulf %get3A_176, %gather3A_166 : vector<16xf32>
        %swap3A_178 = arith.index_cast %scan3A_126 : i32 to index
        %swap3A_179 = arith.constant 80 : index
        %swap3A_180 = tpu.vector_load %arg16[%swap3A_178, %swap3A_179] {strides = array<i32>} : memref<128x144xf32, #tpu.memory_space<vmem>>, vector<16xf32>,
        tpu.vector_store %arg16[%swap3A_178, %swap3A_179], %mul3A_177 {strides = array<i32>} : memref<128x144xf32, #tpu.memory_space<vmem>>, vector<16xf32>,
        %add3A_181 = arith.constant 3 : i32
        %add3A_182 = vector.broadcast %add3A_181 : i32 to vector<16xi32>
        %add3A_183 = arith.addi %broadcast_in_dim3A, %add3A_182 : vector<16xi32>
        %gather3A_184 = tpu.vector_load_idx %arg15[%add3A_183] : memref<512xf32, #tpu.memory_space<vmem>>[vector<16xi32>], vector<16xf32>,
        %get3A_185 = arith.index_cast %scan3A_126 : i32 to index
        %get3A_186 = arith.constant 96 : index
        %get3A_187 = tpu.vector_load %arg16[%get3A_185, %get3A_186] {strides = array<i32>} : memref<128x144xf32, #tpu.memory_space<vmem>>, vector<16xf32>,
        %mul3A_188 = arith.mulf %get3A_187, %gather3A_184 : vector<16xf32>
        %swap3A_189 = arith.index_cast %scan3A_126 : i32 to index
        %swap3A_190 = arith.constant 96 : index
        %swap3A_191 = tpu.vector_load %arg16[%swap3A_189, %swap3A_190] {strides = array<i32>} : memref<128x144xf32, #tpu.memory_space<vmem>>, vector<16xf32>,
        tpu.vector_store %arg16[%swap3A_189, %swap3A_190], %mul3A_188 {strides = array<i32>} : memref<128x144xf32, #tpu.memory_space<vmem>>, vector<16xf32>,
        %get3A_192 = arith.index_cast %scan3A_126 : i32 to index
        %get3A_193 = arith.constant 112 : index
        %get3A_194 = tpu.vector_load %arg16[%get3A_192, %get3A_193] {strides = array<i32>} : memref<128x144xf32, #tpu.memory_space<vmem>>, vector<16xf32>,
        %mul3A_195 = arith.mulf %get3A_194, %gather3A_184 : vector<16xf32>
        %swap3A_196 = arith.index_cast %scan3A_126 : i32 to index
        %swap3A_197 = arith.constant 112 : index
        %swap3A_198 = tpu.vector_load %arg16[%swap3A_196, %swap3A_197] {strides = array<i32>} : memref<128x144xf32, #tpu.memory_space<vmem>>, vector<16xf32>,
        tpu.vector_store %arg16[%swap3A_196, %swap3A_197], %mul3A_195 {strides = array<i32>} : memref<128x144xf32, #tpu.memory_space<vmem>>, vector<16xf32>,
        %add3A_199 = arith.addi %broadcast_in_dim3A, %and3A_4 : vector<16xi32>
        %gather3A_200 = tpu.vector_load_idx %arg15[%add3A_199] : memref<512xf32, #tpu.memory_space<vmem>>[vector<16xi32>], vector<16xf32>,
        %get3A_201 = arith.index_cast %scan3A_126 : i32 to index
        %get3A_202 = arith.constant 128 : index
        %get3A_203 = tpu.vector_load %arg16[%get3A_201, %get3A_202] {strides = array<i32>} : memref<128x144xf32, #tpu.memory_space<vmem>>, vector<16xf32>,
        %mul3A_204 = arith.mulf %get3A_203, %gather3A_200 : vector<16xf32>
        %swap3A_205 = arith.index_cast %scan3A_126 : i32 to index
        %swap3A_206 = arith.constant 128 : index
        %swap3A_207 = tpu.vector_load %arg16[%swap3A_205, %swap3A_206] {strides = array<i32>} : memref<128x144xf32, #tpu.memory_space<vmem>>, vector<16xf32>,
        tpu.vector_store %arg16[%swap3A_205, %swap3A_206], %mul3A_204 {strides = array<i32>} : memref<128x144xf32, #tpu.memory_space<vmem>>, vector<16xf32>,
        %scan3A_208 = arith.constant 0 : i32
        scf.yield %scan3A_208 : i32
      }
      %scan3A_124 = arith.constant 128 : i32
      "tpu.region"() ({
        %run_scoped3A = tpu.sem_alloc : memref<!tpu.dma_semaphore, #tpu.memory_space<semaphore_mem>>
        %dma_start3A_126 = arith.constant 0 : i32
        %dma_start3A_127 = arith.constant 0 : i32
        %dma_start3A_128 = tpu.memref_slice %arg17[%dma_start3A_126, %dma_start3A_127] : memref<10240x144xf32, #tpu.memory_space<vmem_shared>> -> memref<10240x144xf32, #tpu.memory_space<vmem_shared>>
        tpu.enqueue_indirect_dma source(%arg16 : memref<128x144xf32, #tpu.memory_space<vmem>>) target(%dma_start3A_128 : memref<10240x144xf32, #tpu.memory_space<vmem_shared>>) offsets(%arg10 : memref<128xi32, #tpu.memory_space<vmem>>) semaphore(%run_scoped3A : memref<!tpu.dma_semaphore, #tpu.memory_space<semaphore_mem>>) {add = true}
        %dma_wait3A_129 = arith.constant 0 : i32
        %dma_wait3A_130 = arith.constant 0 : i32
        %dma_wait3A_131 = tpu.memref_slice %arg17[%dma_wait3A_129, %dma_wait3A_130] : memref<10240x144xf32, #tpu.memory_space<vmem_shared>> -> memref<10240x144xf32, #tpu.memory_space<vmem_shared>>
        tpu.wait_indirect_dma semaphore(%run_scoped3A : memref<!tpu.dma_semaphore, #tpu.memory_space<semaphore_mem>>) src(%arg16 : memref<128x144xf32, #tpu.memory_space<vmem>>) dst(%dma_wait3A_131 : memref<10240x144xf32, #tpu.memory_space<vmem_shared>>)
        tpu.yield
      }) : () -> ()
      %scan3A_125 = arith.constant 0 : i32
      scf.yield %scan3A_125 : i32
    }
    %scan3A_38 = arith.constant 162 : i32
    %barrier3A_39 = arith.constant 0 : index
    tpu.barrier barrier_id(%barrier3A_39)
    %mul3A_40 = arith.constant 640 : i32
    %mul3A_41 = arith.muli %arg1, %mul3A_40 : i32
    %add3A_42 = arith.constant 0 : i32
    %add3A_43 = arith.addi %mul3A_41, %add3A_42 : i32
    %mul3A_44 = arith.constant 10240 : i32
    %mul3A_45 = arith.muli %arg0, %mul3A_44 : i32
    %add3A_46 = arith.addi %mul3A_45, %add3A_43 : i32
    "tpu.region"() ({
      %run_scoped3A = tpu.sem_alloc : memref<!tpu.dma_semaphore, #tpu.memory_space<semaphore_mem>>
      %dma_start3A = arith.constant 0 : i32
      %dma_start3A_75 = tpu.memref_slice %arg8[%add3A_46, %dma_start3A] : memref<20480x144xf32, #tpu.memory_space<hbm>> -> memref<128x144xf32, #tpu.memory_space<hbm>>
      %dma_start3A_76 = arith.constant 0 : i32
      %dma_start3A_77 = tpu.memref_slice %arg17[%add3A_43, %dma_start3A_76] : memref<10240x144xf32, #tpu.memory_space<vmem_shared>> -> memref<128x144xf32, #tpu.memory_space<vmem_shared>>
      tpu.enqueue_dma source(%dma_start3A_77 : memref<128x144xf32, #tpu.memory_space<vmem_shared>>) target(%dma_start3A_75 : memref<128x144xf32, #tpu.memory_space<hbm>>) target_semaphore(%run_scoped3A : memref<!tpu.dma_semaphore, #tpu.memory_space<semaphore_mem>>)
      %dma_wait3A = arith.constant 0 : i32
      %dma_wait3A_78 = tpu.memref_slice %arg8[%add3A_46, %dma_wait3A] : memref<20480x144xf32, #tpu.memory_space<hbm>> -> memref<128x144xf32, #tpu.memory_space<hbm>>
      %dma_wait3A_79 = arith.constant 0 : i32
      %dma_wait3A_80 = tpu.memref_slice %arg17[%add3A_43, %dma_wait3A_79] : memref<10240x144xf32, #tpu.memory_space<vmem_shared>> -> memref<128x144xf32, #tpu.memory_space<vmem_shared>>
      tpu.wait_dma2 semaphore(%run_scoped3A : memref<!tpu.dma_semaphore, #tpu.memory_space<semaphore_mem>>) src(%dma_wait3A_80 : memref<128x144xf32, #tpu.memory_space<vmem_shared>>) dst(%dma_wait3A_78 : memref<128x144xf32, #tpu.memory_space<hbm>>)
      tpu.yield
    }) : () -> ()
    %mul3A_47 = arith.constant 640 : i32
    %mul3A_48 = arith.muli %arg1, %mul3A_47 : i32
    %add3A_49 = arith.constant 128 : i32
    %add3A_50 = arith.addi %mul3A_48, %add3A_49 : i32
    %mul3A_51 = arith.constant 10240 : i32
    %mul3A_52 = arith.muli %arg0, %mul3A_51 : i32
    %add3A_53 = arith.addi %mul3A_52, %add3A_50 : i32
    "tpu.region"() ({
      %run_scoped3A = tpu.sem_alloc : memref<!tpu.dma_semaphore, #tpu.memory_space<semaphore_mem>>
      %dma_start3A = arith.constant 0 : i32
      %dma_start3A_75 = tpu.memref_slice %arg8[%add3A_53, %dma_start3A] : memref<20480x144xf32, #tpu.memory_space<hbm>> -> memref<128x144xf32, #tpu.memory_space<hbm>>
      %dma_start3A_76 = arith.constant 0 : i32
      %dma_start3A_77 = tpu.memref_slice %arg17[%add3A_50, %dma_start3A_76] : memref<10240x144xf32, #tpu.memory_space<vmem_shared>> -> memref<128x144xf32, #tpu.memory_space<vmem_shared>>
      tpu.enqueue_dma source(%dma_start3A_77 : memref<128x144xf32, #tpu.memory_space<vmem_shared>>) target(%dma_start3A_75 : memref<128x144xf32, #tpu.memory_space<hbm>>) target_semaphore(%run_scoped3A : memref<!tpu.dma_semaphore, #tpu.memory_space<semaphore_mem>>)
      %dma_wait3A = arith.constant 0 : i32
      %dma_wait3A_78 = tpu.memref_slice %arg8[%add3A_53, %dma_wait3A] : memref<20480x144xf32, #tpu.memory_space<hbm>> -> memref<128x144xf32, #tpu.memory_space<hbm>>
      %dma_wait3A_79 = arith.constant 0 : i32
      %dma_wait3A_80 = tpu.memref_slice %arg17[%add3A_50, %dma_wait3A_79] : memref<10240x144xf32, #tpu.memory_space<vmem_shared>> -> memref<128x144xf32, #tpu.memory_space<vmem_shared>>
      tpu.wait_dma2 semaphore(%run_scoped3A : memref<!tpu.dma_semaphore, #tpu.memory_space<semaphore_mem>>) src(%dma_wait3A_80 : memref<128x144xf32, #tpu.memory_space<vmem_shared>>) dst(%dma_wait3A_78 : memref<128x144xf32, #tpu.memory_space<hbm>>)
      tpu.yield
    }) : () -> ()
    %mul3A_54 = arith.constant 640 : i32
    %mul3A_55 = arith.muli %arg1, %mul3A_54 : i32
    %add3A_56 = arith.constant 256 : i32
    %add3A_57 = arith.addi %mul3A_55, %add3A_56 : i32
    %mul3A_58 = arith.constant 10240 : i32
    %mul3A_59 = arith.muli %arg0, %mul3A_58 : i32
    %add3A_60 = arith.addi %mul3A_59, %add3A_57 : i32
    "tpu.region"() ({
      %run_scoped3A = tpu.sem_alloc : memref<!tpu.dma_semaphore, #tpu.memory_space<semaphore_mem>>
      %dma_start3A = arith.constant 0 : i32
      %dma_start3A_75 = tpu.memref_slice %arg8[%add3A_60, %dma_start3A] : memref<20480x144xf32, #tpu.memory_space<hbm>> -> memref<128x144xf32, #tpu.memory_space<hbm>>
      %dma_start3A_76 = arith.constant 0 : i32
      %dma_start3A_77 = tpu.memref_slice %arg17[%add3A_57, %dma_start3A_76] : memref<10240x144xf32, #tpu.memory_space<vmem_shared>> -> memref<128x144xf32, #tpu.memory_space<vmem_shared>>
      tpu.enqueue_dma source(%dma_start3A_77 : memref<128x144xf32, #tpu.memory_space<vmem_shared>>) target(%dma_start3A_75 : memref<128x144xf32, #tpu.memory_space<hbm>>) target_semaphore(%run_scoped3A : memref<!tpu.dma_semaphore, #tpu.memory_space<semaphore_mem>>)
      %dma_wait3A = arith.constant 0 : i32
      %dma_wait3A_78 = tpu.memref_slice %arg8[%add3A_60, %dma_wait3A] : memref<20480x144xf32, #tpu.memory_space<hbm>> -> memref<128x144xf32, #tpu.memory_space<hbm>>
      %dma_wait3A_79 = arith.constant 0 : i32
      %dma_wait3A_80 = tpu.memref_slice %arg17[%add3A_57, %dma_wait3A_79] : memref<10240x144xf32, #tpu.memory_space<vmem_shared>> -> memref<128x144xf32, #tpu.memory_space<vmem_shared>>
      tpu.wait_dma2 semaphore(%run_scoped3A : memref<!tpu.dma_semaphore, #tpu.memory_space<semaphore_mem>>) src(%dma_wait3A_80 : memref<128x144xf32, #tpu.memory_space<vmem_shared>>) dst(%dma_wait3A_78 : memref<128x144xf32, #tpu.memory_space<hbm>>)
      tpu.yield
    }) : () -> ()
    %mul3A_61 = arith.constant 640 : i32
    %mul3A_62 = arith.muli %arg1, %mul3A_61 : i32
    %add3A_63 = arith.constant 384 : i32
    %add3A_64 = arith.addi %mul3A_62, %add3A_63 : i32
    %mul3A_65 = arith.constant 10240 : i32
    %mul3A_66 = arith.muli %arg0, %mul3A_65 : i32
    %add3A_67 = arith.addi %mul3A_66, %add3A_64 : i32
    "tpu.region"() ({
      %run_scoped3A = tpu.sem_alloc : memref<!tpu.dma_semaphore, #tpu.memory_space<semaphore_mem>>
      %dma_start3A = arith.constant 0 : i32
      %dma_start3A_75 = tpu.memref_slice %arg8[%add3A_67, %dma_start3A] : memref<20480x144xf32, #tpu.memory_space<hbm>> -> memref<128x144xf32, #tpu.memory_space<hbm>>
      %dma_start3A_76 = arith.constant 0 : i32
      %dma_start3A_77 = tpu.memref_slice %arg17[%add3A_64, %dma_start3A_76] : memref<10240x144xf32, #tpu.memory_space<vmem_shared>> -> memref<128x144xf32, #tpu.memory_space<vmem_shared>>
      tpu.enqueue_dma source(%dma_start3A_77 : memref<128x144xf32, #tpu.memory_space<vmem_shared>>) target(%dma_start3A_75 : memref<128x144xf32, #tpu.memory_space<hbm>>) target_semaphore(%run_scoped3A : memref<!tpu.dma_semaphore, #tpu.memory_space<semaphore_mem>>)
      %dma_wait3A = arith.constant 0 : i32
      %dma_wait3A_78 = tpu.memref_slice %arg8[%add3A_67, %dma_wait3A] : memref<20480x144xf32, #tpu.memory_space<hbm>> -> memref<128x144xf32, #tpu.memory_space<hbm>>
      %dma_wait3A_79 = arith.constant 0 : i32
      %dma_wait3A_80 = tpu.memref_slice %arg17[%add3A_64, %dma_wait3A_79] : memref<10240x144xf32, #tpu.memory_space<vmem_shared>> -> memref<128x144xf32, #tpu.memory_space<vmem_shared>>
      tpu.wait_dma2 semaphore(%run_scoped3A : memref<!tpu.dma_semaphore, #tpu.memory_space<semaphore_mem>>) src(%dma_wait3A_80 : memref<128x144xf32, #tpu.memory_space<vmem_shared>>) dst(%dma_wait3A_78 : memref<128x144xf32, #tpu.memory_space<hbm>>)
      tpu.yield
    }) : () -> ()
    %mul3A_68 = arith.constant 640 : i32
    %mul3A_69 = arith.muli %arg1, %mul3A_68 : i32
    %add3A_70 = arith.constant 512 : i32
    %add3A_71 = arith.addi %mul3A_69, %add3A_70 : i32
    %mul3A_72 = arith.constant 10240 : i32
    %mul3A_73 = arith.muli %arg0, %mul3A_72 : i32
    %add3A_74 = arith.addi %mul3A_73, %add3A_71 : i32
    "tpu.region"() ({
      %run_scoped3A = tpu.sem_alloc : memref<!tpu.dma_semaphore, #tpu.memory_space<semaphore_mem>>
      %dma_start3A = arith.constant 0 : i32
      %dma_start3A_75 = tpu.memref_slice %arg8[%add3A_74, %dma_start3A] : memref<20480x144xf32, #tpu.memory_space<hbm>> -> memref<128x144xf32, #tpu.memory_space<hbm>>
      %dma_start3A_76 = arith.constant 0 : i32
      %dma_start3A_77 = tpu.memref_slice %arg17[%add3A_71, %dma_start3A_76] : memref<10240x144xf32, #tpu.memory_space<vmem_shared>> -> memref<128x144xf32, #tpu.memory_space<vmem_shared>>
      tpu.enqueue_dma source(%dma_start3A_77 : memref<128x144xf32, #tpu.memory_space<vmem_shared>>) target(%dma_start3A_75 : memref<128x144xf32, #tpu.memory_space<hbm>>) target_semaphore(%run_scoped3A : memref<!tpu.dma_semaphore, #tpu.memory_space<semaphore_mem>>)
      %dma_wait3A = arith.constant 0 : i32
      %dma_wait3A_78 = tpu.memref_slice %arg8[%add3A_74, %dma_wait3A] : memref<20480x144xf32, #tpu.memory_space<hbm>> -> memref<128x144xf32, #tpu.memory_space<hbm>>
      %dma_wait3A_79 = arith.constant 0 : i32
      %dma_wait3A_80 = tpu.memref_slice %arg17[%add3A_71, %dma_wait3A_79] : memref<10240x144xf32, #tpu.memory_space<vmem_shared>> -> memref<128x144xf32, #tpu.memory_space<vmem_shared>>
      tpu.wait_dma2 semaphore(%run_scoped3A : memref<!tpu.dma_semaphore, #tpu.memory_space<semaphore_mem>>) src(%dma_wait3A_80 : memref<128x144xf32, #tpu.memory_space<vmem_shared>>) dst(%dma_wait3A_78 : memref<128x144xf32, #tpu.memory_space<hbm>>)
      tpu.yield
    }) : () -> ()
    return
  }
}

#map = affine_map<(d0, d1) -> (0)>
#map1 = affine_map<(d0, d1) -> (0, 0)>
module attributes {stable_mosaic.version = 14 : i64} {
  func.func @_k4_body(%arg0: i32, %arg1: i32, %arg2: memref<331776xi32, #tpu.memory_space<hbm>>, %arg3: memref<331776xi32, #tpu.memory_space<hbm>>, %arg4: memref<331776xf32, #tpu.memory_space<hbm>>, %arg5: memref<10000xf32, #tpu.memory_space<hbm>>, %arg6: memref<10240xf32, #tpu.memory_space<hbm>>, %arg7: memref<20000x32xf32, #tpu.memory_space<hbm>>, %arg8: memref<20480x32xf32, #tpu.memory_space<hbm>>, %arg9: memref<10000xf32, #tpu.memory_space<vmem>>, %arg10: memref<10240xf32, #tpu.memory_space<vmem>>, %arg11: memref<128xi32, #tpu.memory_space<vmem>>, %arg12: memref<128xi32, #tpu.memory_space<vmem>>, %arg13: memref<128xf32, #tpu.memory_space<vmem>>, %arg14: memref<128xf32, #tpu.memory_space<vmem>>, %arg15: memref<128x32xf32, #tpu.memory_space<vmem>>, %arg16: memref<10240x32xf32, #tpu.memory_space<vmem_shared>>, %arg17: memref<!tpu.dma_semaphore, #tpu.memory_space<semaphore_mem>>) attributes {dimension_semantics = [#tpu.dimension_semantics<core_parallel>, #tpu.dimension_semantics<subcore_parallel>], iteration_bounds = array<i64: 2, 16>, scalar_prefetch = 0 : i64, scratch_operands = 9 : i64, tpu.core_type = #tpu.core_type<sc_vector_subcore>, window_params = [{transform_indices = #map}, {transform_indices = #map}, {transform_indices = #map}, {transform_indices = #map}, {transform_indices = #map}, {transform_indices = #map1}, {transform_indices = #map1}]} {
    %mul3A = arith.constant 10000 : i32
    %mul3A_0 = arith.muli %arg0, %mul3A : i32
    "tpu.region"() ({
      %run_scoped3A = tpu.sem_alloc : memref<!tpu.dma_semaphore, #tpu.memory_space<semaphore_mem>>
      tpu.enqueue_dma source(%arg5 : memref<10000xf32, #tpu.memory_space<hbm>>) target(%arg9 : memref<10000xf32, #tpu.memory_space<vmem>>) target_semaphore(%run_scoped3A : memref<!tpu.dma_semaphore, #tpu.memory_space<semaphore_mem>>)
      tpu.wait_dma2 semaphore(%run_scoped3A : memref<!tpu.dma_semaphore, #tpu.memory_space<semaphore_mem>>) src(%arg5 : memref<10000xf32, #tpu.memory_space<hbm>>) dst(%arg9 : memref<10000xf32, #tpu.memory_space<vmem>>)
      tpu.yield
    }) : () -> ()
    "tpu.region"() ({
      %run_scoped3A = tpu.sem_alloc : memref<!tpu.dma_semaphore, #tpu.memory_space<semaphore_mem>>
      tpu.enqueue_dma source(%arg6 : memref<10240xf32, #tpu.memory_space<hbm>>) target(%arg10 : memref<10240xf32, #tpu.memory_space<vmem>>) target_semaphore(%run_scoped3A : memref<!tpu.dma_semaphore, #tpu.memory_space<semaphore_mem>>)
      tpu.wait_dma2 semaphore(%run_scoped3A : memref<!tpu.dma_semaphore, #tpu.memory_space<semaphore_mem>>) src(%arg6 : memref<10240xf32, #tpu.memory_space<hbm>>) dst(%arg10 : memref<10240xf32, #tpu.memory_space<vmem>>)
      tpu.yield
    }) : () -> ()
    %scan3A = arith.constant 0 : i32
    %scan3A_1 = arith.constant 0 : i32
    %scan3A_2 = arith.constant 256 : i32
    %scan3A_3 = arith.addi %scan3A_1, %scan3A_2 : i32
    %scan3A_4 = arith.constant 1 : i32
    %scan3A_5 = scf.for %scan3A_71 = %scan3A_1 to %scan3A_3 step %scan3A_4 iter_args(%scan3A_72 = %scan3A) -> (i32)  : i32 {
      %jit3A = arith.constant 2 : i32
      %div3A = arith.divsi %scan3A_71, %jit3A : i32
      %sign3A = arith.constant 0 : i32
      %sign3A_73 = arith.cmpi sgt, %scan3A_71, %sign3A : i32
      %sign3A_74 = arith.extui %sign3A_73 : i1 to i32
      %sign3A_75 = arith.constant 0 : i32
      %sign3A_76 = arith.cmpi slt, %scan3A_71, %sign3A_75 : i32
      %sign3A_77 = arith.extui %sign3A_76 : i1 to i32
      %sign3A_78 = arith.subi %sign3A_74, %sign3A_77 : i32
      %sign3A_79 = arith.constant 0 : i32
      %sign3A_80 = arith.cmpi sgt, %jit3A, %sign3A_79 : i32
      %sign3A_81 = arith.extui %sign3A_80 : i1 to i32
      %sign3A_82 = arith.constant 0 : i32
      %sign3A_83 = arith.cmpi slt, %jit3A, %sign3A_82 : i32
      %sign3A_84 = arith.extui %sign3A_83 : i1 to i32
      %sign3A_85 = arith.subi %sign3A_81, %sign3A_84 : i32
      %ne3A = arith.cmpi ne, %sign3A_78, %sign3A_85 : i32
      %rem3A = arith.remsi %scan3A_71, %jit3A : i32
      %ne3A_86 = arith.constant 0 : i32
      %ne3A_87 = arith.cmpi ne, %rem3A, %ne3A_86 : i32
      %and3A = arith.andi %ne3A, %ne3A_87 : i1
      %sub3A = arith.constant 1 : i32
      %sub3A_88 = arith.subi %div3A, %sub3A : i32
      %select_n3A = arith.select %and3A, %sub3A_88, %div3A : i32
      %mul3A_89 = arith.constant 2 : i32
      %mul3A_90 = arith.muli %select_n3A, %mul3A_89 : i32
      %sub3A_91 = arith.subi %scan3A_71, %mul3A_90 : i32
      %broadcast_in_dim3A = arith.constant 0.000000e+00 : f32
      %broadcast_in_dim3A_92 = vector.broadcast %broadcast_in_dim3A : f32 to vector<16xf32>
      %mul3A_93 = arith.constant 16 : i32
      %mul3A_94 = arith.muli %sub3A_91, %mul3A_93 : i32
      %swap3A = arith.index_cast %select_n3A : i32 to index
      %swap3A_95 = arith.index_cast %mul3A_94 : i32 to index
      %swap3A_96 = tpu.vector_load %arg15[%swap3A, %swap3A_95] {strides = array<i32>} : memref<128x32xf32, #tpu.memory_space<vmem>>, vector<16xf32>,
      tpu.vector_store %arg15[%swap3A, %swap3A_95], %broadcast_in_dim3A_92 {strides = array<i32>} : memref<128x32xf32, #tpu.memory_space<vmem>>, vector<16xf32>,
      %scan3A_97 = arith.constant 0 : i32
      scf.yield %scan3A_97 : i32
    }
    %scan3A_6 = arith.constant 256 : i32
    %mul3A_7 = arith.constant 640 : i32
    %mul3A_8 = arith.muli %arg1, %mul3A_7 : i32
    %add3A = arith.constant 0 : i32
    %add3A_9 = arith.addi %mul3A_8, %add3A : i32
    "tpu.region"() ({
      %run_scoped3A = tpu.sem_alloc : memref<!tpu.dma_semaphore, #tpu.memory_space<semaphore_mem>>
      %dma_start3A = arith.constant 0 : i32
      %dma_start3A_71 = tpu.memref_slice %arg16[%add3A_9, %dma_start3A] : memref<10240x32xf32, #tpu.memory_space<vmem_shared>> -> memref<128x32xf32, #tpu.memory_space<vmem_shared>>
      %dma_start3A_72 = arith.constant 0 : i32
      %dma_start3A_73 = tpu.memref_slice %arg16[%add3A_9, %dma_start3A_72] : memref<10240x32xf32, #tpu.memory_space<vmem_shared>> -> memref<128x32xf32, #tpu.memory_space<vmem_shared>>
      tpu.enqueue_dma source(%arg15 : memref<128x32xf32, #tpu.memory_space<vmem>>) target(%dma_start3A_73 : memref<128x32xf32, #tpu.memory_space<vmem_shared>>) target_semaphore(%run_scoped3A : memref<!tpu.dma_semaphore, #tpu.memory_space<semaphore_mem>>)
      %dma_wait3A = arith.constant 0 : i32
      %dma_wait3A_74 = tpu.memref_slice %arg16[%add3A_9, %dma_wait3A] : memref<10240x32xf32, #tpu.memory_space<vmem_shared>> -> memref<128x32xf32, #tpu.memory_space<vmem_shared>>
      %dma_wait3A_75 = arith.constant 0 : i32
      %dma_wait3A_76 = tpu.memref_slice %arg16[%add3A_9, %dma_wait3A_75] : memref<10240x32xf32, #tpu.memory_space<vmem_shared>> -> memref<128x32xf32, #tpu.memory_space<vmem_shared>>
      tpu.wait_dma2 semaphore(%run_scoped3A : memref<!tpu.dma_semaphore, #tpu.memory_space<semaphore_mem>>) src(%arg15 : memref<128x32xf32, #tpu.memory_space<vmem>>) dst(%dma_wait3A_76 : memref<128x32xf32, #tpu.memory_space<vmem_shared>>)
      tpu.yield
    }) : () -> ()
    %mul3A_10 = arith.constant 640 : i32
    %mul3A_11 = arith.muli %arg1, %mul3A_10 : i32
    %add3A_12 = arith.constant 128 : i32
    %add3A_13 = arith.addi %mul3A_11, %add3A_12 : i32
    "tpu.region"() ({
      %run_scoped3A = tpu.sem_alloc : memref<!tpu.dma_semaphore, #tpu.memory_space<semaphore_mem>>
      %dma_start3A = arith.constant 0 : i32
      %dma_start3A_71 = tpu.memref_slice %arg16[%add3A_13, %dma_start3A] : memref<10240x32xf32, #tpu.memory_space<vmem_shared>> -> memref<128x32xf32, #tpu.memory_space<vmem_shared>>
      %dma_start3A_72 = arith.constant 0 : i32
      %dma_start3A_73 = tpu.memref_slice %arg16[%add3A_13, %dma_start3A_72] : memref<10240x32xf32, #tpu.memory_space<vmem_shared>> -> memref<128x32xf32, #tpu.memory_space<vmem_shared>>
      tpu.enqueue_dma source(%arg15 : memref<128x32xf32, #tpu.memory_space<vmem>>) target(%dma_start3A_73 : memref<128x32xf32, #tpu.memory_space<vmem_shared>>) target_semaphore(%run_scoped3A : memref<!tpu.dma_semaphore, #tpu.memory_space<semaphore_mem>>)
      %dma_wait3A = arith.constant 0 : i32
      %dma_wait3A_74 = tpu.memref_slice %arg16[%add3A_13, %dma_wait3A] : memref<10240x32xf32, #tpu.memory_space<vmem_shared>> -> memref<128x32xf32, #tpu.memory_space<vmem_shared>>
      %dma_wait3A_75 = arith.constant 0 : i32
      %dma_wait3A_76 = tpu.memref_slice %arg16[%add3A_13, %dma_wait3A_75] : memref<10240x32xf32, #tpu.memory_space<vmem_shared>> -> memref<128x32xf32, #tpu.memory_space<vmem_shared>>
      tpu.wait_dma2 semaphore(%run_scoped3A : memref<!tpu.dma_semaphore, #tpu.memory_space<semaphore_mem>>) src(%arg15 : memref<128x32xf32, #tpu.memory_space<vmem>>) dst(%dma_wait3A_76 : memref<128x32xf32, #tpu.memory_space<vmem_shared>>)
      tpu.yield
    }) : () -> ()
    %mul3A_14 = arith.constant 640 : i32
    %mul3A_15 = arith.muli %arg1, %mul3A_14 : i32
    %add3A_16 = arith.constant 256 : i32
    %add3A_17 = arith.addi %mul3A_15, %add3A_16 : i32
    "tpu.region"() ({
      %run_scoped3A = tpu.sem_alloc : memref<!tpu.dma_semaphore, #tpu.memory_space<semaphore_mem>>
      %dma_start3A = arith.constant 0 : i32
      %dma_start3A_71 = tpu.memref_slice %arg16[%add3A_17, %dma_start3A] : memref<10240x32xf32, #tpu.memory_space<vmem_shared>> -> memref<128x32xf32, #tpu.memory_space<vmem_shared>>
      %dma_start3A_72 = arith.constant 0 : i32
      %dma_start3A_73 = tpu.memref_slice %arg16[%add3A_17, %dma_start3A_72] : memref<10240x32xf32, #tpu.memory_space<vmem_shared>> -> memref<128x32xf32, #tpu.memory_space<vmem_shared>>
      tpu.enqueue_dma source(%arg15 : memref<128x32xf32, #tpu.memory_space<vmem>>) target(%dma_start3A_73 : memref<128x32xf32, #tpu.memory_space<vmem_shared>>) target_semaphore(%run_scoped3A : memref<!tpu.dma_semaphore, #tpu.memory_space<semaphore_mem>>)
      %dma_wait3A = arith.constant 0 : i32
      %dma_wait3A_74 = tpu.memref_slice %arg16[%add3A_17, %dma_wait3A] : memref<10240x32xf32, #tpu.memory_space<vmem_shared>> -> memref<128x32xf32, #tpu.memory_space<vmem_shared>>
      %dma_wait3A_75 = arith.constant 0 : i32
      %dma_wait3A_76 = tpu.memref_slice %arg16[%add3A_17, %dma_wait3A_75] : memref<10240x32xf32, #tpu.memory_space<vmem_shared>> -> memref<128x32xf32, #tpu.memory_space<vmem_shared>>
      tpu.wait_dma2 semaphore(%run_scoped3A : memref<!tpu.dma_semaphore, #tpu.memory_space<semaphore_mem>>) src(%arg15 : memref<128x32xf32, #tpu.memory_space<vmem>>) dst(%dma_wait3A_76 : memref<128x32xf32, #tpu.memory_space<vmem_shared>>)
      tpu.yield
    }) : () -> ()
    %mul3A_18 = arith.constant 640 : i32
    %mul3A_19 = arith.muli %arg1, %mul3A_18 : i32
    %add3A_20 = arith.constant 384 : i32
    %add3A_21 = arith.addi %mul3A_19, %add3A_20 : i32
    "tpu.region"() ({
      %run_scoped3A = tpu.sem_alloc : memref<!tpu.dma_semaphore, #tpu.memory_space<semaphore_mem>>
      %dma_start3A = arith.constant 0 : i32
      %dma_start3A_71 = tpu.memref_slice %arg16[%add3A_21, %dma_start3A] : memref<10240x32xf32, #tpu.memory_space<vmem_shared>> -> memref<128x32xf32, #tpu.memory_space<vmem_shared>>
      %dma_start3A_72 = arith.constant 0 : i32
      %dma_start3A_73 = tpu.memref_slice %arg16[%add3A_21, %dma_start3A_72] : memref<10240x32xf32, #tpu.memory_space<vmem_shared>> -> memref<128x32xf32, #tpu.memory_space<vmem_shared>>
      tpu.enqueue_dma source(%arg15 : memref<128x32xf32, #tpu.memory_space<vmem>>) target(%dma_start3A_73 : memref<128x32xf32, #tpu.memory_space<vmem_shared>>) target_semaphore(%run_scoped3A : memref<!tpu.dma_semaphore, #tpu.memory_space<semaphore_mem>>)
      %dma_wait3A = arith.constant 0 : i32
      %dma_wait3A_74 = tpu.memref_slice %arg16[%add3A_21, %dma_wait3A] : memref<10240x32xf32, #tpu.memory_space<vmem_shared>> -> memref<128x32xf32, #tpu.memory_space<vmem_shared>>
      %dma_wait3A_75 = arith.constant 0 : i32
      %dma_wait3A_76 = tpu.memref_slice %arg16[%add3A_21, %dma_wait3A_75] : memref<10240x32xf32, #tpu.memory_space<vmem_shared>> -> memref<128x32xf32, #tpu.memory_space<vmem_shared>>
      tpu.wait_dma2 semaphore(%run_scoped3A : memref<!tpu.dma_semaphore, #tpu.memory_space<semaphore_mem>>) src(%arg15 : memref<128x32xf32, #tpu.memory_space<vmem>>) dst(%dma_wait3A_76 : memref<128x32xf32, #tpu.memory_space<vmem_shared>>)
      tpu.yield
    }) : () -> ()
    %mul3A_22 = arith.constant 640 : i32
    %mul3A_23 = arith.muli %arg1, %mul3A_22 : i32
    %add3A_24 = arith.constant 512 : i32
    %add3A_25 = arith.addi %mul3A_23, %add3A_24 : i32
    "tpu.region"() ({
      %run_scoped3A = tpu.sem_alloc : memref<!tpu.dma_semaphore, #tpu.memory_space<semaphore_mem>>
      %dma_start3A = arith.constant 0 : i32
      %dma_start3A_71 = tpu.memref_slice %arg16[%add3A_25, %dma_start3A] : memref<10240x32xf32, #tpu.memory_space<vmem_shared>> -> memref<128x32xf32, #tpu.memory_space<vmem_shared>>
      %dma_start3A_72 = arith.constant 0 : i32
      %dma_start3A_73 = tpu.memref_slice %arg16[%add3A_25, %dma_start3A_72] : memref<10240x32xf32, #tpu.memory_space<vmem_shared>> -> memref<128x32xf32, #tpu.memory_space<vmem_shared>>
      tpu.enqueue_dma source(%arg15 : memref<128x32xf32, #tpu.memory_space<vmem>>) target(%dma_start3A_73 : memref<128x32xf32, #tpu.memory_space<vmem_shared>>) target_semaphore(%run_scoped3A : memref<!tpu.dma_semaphore, #tpu.memory_space<semaphore_mem>>)
      %dma_wait3A = arith.constant 0 : i32
      %dma_wait3A_74 = tpu.memref_slice %arg16[%add3A_25, %dma_wait3A] : memref<10240x32xf32, #tpu.memory_space<vmem_shared>> -> memref<128x32xf32, #tpu.memory_space<vmem_shared>>
      %dma_wait3A_75 = arith.constant 0 : i32
      %dma_wait3A_76 = tpu.memref_slice %arg16[%add3A_25, %dma_wait3A_75] : memref<10240x32xf32, #tpu.memory_space<vmem_shared>> -> memref<128x32xf32, #tpu.memory_space<vmem_shared>>
      tpu.wait_dma2 semaphore(%run_scoped3A : memref<!tpu.dma_semaphore, #tpu.memory_space<semaphore_mem>>) src(%arg15 : memref<128x32xf32, #tpu.memory_space<vmem>>) dst(%dma_wait3A_76 : memref<128x32xf32, #tpu.memory_space<vmem_shared>>)
      tpu.yield
    }) : () -> ()
    %barrier3A = arith.constant 0 : index
    tpu.barrier barrier_id(%barrier3A)
    %mul3A_26 = arith.constant 20736 : i32
    %mul3A_27 = arith.muli %arg1, %mul3A_26 : i32
    %scan3A_28 = arith.constant 0 : i32
    %scan3A_29 = arith.constant 0 : i32
    %scan3A_30 = arith.constant 162 : i32
    %scan3A_31 = arith.addi %scan3A_29, %scan3A_30 : i32
    %scan3A_32 = arith.constant 1 : i32
    %scan3A_33 = scf.for %scan3A_71 = %scan3A_29 to %scan3A_31 step %scan3A_32 iter_args(%scan3A_72 = %scan3A_28) -> (i32)  : i32 {
      %mul3A_73 = arith.constant 128 : i32
      %mul3A_74 = arith.muli %scan3A_71, %mul3A_73 : i32
      %add3A_75 = arith.addi %mul3A_27, %mul3A_74 : i32
      "tpu.region"() ({
        %run_scoped3A = tpu.sem_alloc : memref<!tpu.dma_semaphore, #tpu.memory_space<semaphore_mem>>
        %dma_start3A_95 = tpu.memref_slice %arg2[%add3A_75] : memref<331776xi32, #tpu.memory_space<hbm>> -> memref<128xi32, #tpu.memory_space<hbm>>
        %dma_start3A_96 = tpu.memref_slice %arg2[%add3A_75] : memref<331776xi32, #tpu.memory_space<hbm>> -> memref<128xi32, #tpu.memory_space<hbm>>
        tpu.enqueue_dma source(%dma_start3A_96 : memref<128xi32, #tpu.memory_space<hbm>>) target(%arg11 : memref<128xi32, #tpu.memory_space<vmem>>) target_semaphore(%run_scoped3A : memref<!tpu.dma_semaphore, #tpu.memory_space<semaphore_mem>>)
        %dma_wait3A_97 = tpu.memref_slice %arg2[%add3A_75] : memref<331776xi32, #tpu.memory_space<hbm>> -> memref<128xi32, #tpu.memory_space<hbm>>
        %dma_wait3A_98 = tpu.memref_slice %arg2[%add3A_75] : memref<331776xi32, #tpu.memory_space<hbm>> -> memref<128xi32, #tpu.memory_space<hbm>>
        tpu.wait_dma2 semaphore(%run_scoped3A : memref<!tpu.dma_semaphore, #tpu.memory_space<semaphore_mem>>) src(%dma_wait3A_98 : memref<128xi32, #tpu.memory_space<hbm>>) dst(%arg11 : memref<128xi32, #tpu.memory_space<vmem>>)
        tpu.yield
      }) : () -> ()
      "tpu.region"() ({
        %run_scoped3A = tpu.sem_alloc : memref<!tpu.dma_semaphore, #tpu.memory_space<semaphore_mem>>
        %dma_start3A_95 = tpu.memref_slice %arg3[%add3A_75] : memref<331776xi32, #tpu.memory_space<hbm>> -> memref<128xi32, #tpu.memory_space<hbm>>
        %dma_start3A_96 = tpu.memref_slice %arg3[%add3A_75] : memref<331776xi32, #tpu.memory_space<hbm>> -> memref<128xi32, #tpu.memory_space<hbm>>
        tpu.enqueue_dma source(%dma_start3A_96 : memref<128xi32, #tpu.memory_space<hbm>>) target(%arg12 : memref<128xi32, #tpu.memory_space<vmem>>) target_semaphore(%run_scoped3A : memref<!tpu.dma_semaphore, #tpu.memory_space<semaphore_mem>>)
        %dma_wait3A_97 = tpu.memref_slice %arg3[%add3A_75] : memref<331776xi32, #tpu.memory_space<hbm>> -> memref<128xi32, #tpu.memory_space<hbm>>
        %dma_wait3A_98 = tpu.memref_slice %arg3[%add3A_75] : memref<331776xi32, #tpu.memory_space<hbm>> -> memref<128xi32, #tpu.memory_space<hbm>>
        tpu.wait_dma2 semaphore(%run_scoped3A : memref<!tpu.dma_semaphore, #tpu.memory_space<semaphore_mem>>) src(%dma_wait3A_98 : memref<128xi32, #tpu.memory_space<hbm>>) dst(%arg12 : memref<128xi32, #tpu.memory_space<vmem>>)
        tpu.yield
      }) : () -> ()
      "tpu.region"() ({
        %run_scoped3A = tpu.sem_alloc : memref<!tpu.dma_semaphore, #tpu.memory_space<semaphore_mem>>
        %dma_start3A_95 = tpu.memref_slice %arg4[%add3A_75] : memref<331776xf32, #tpu.memory_space<hbm>> -> memref<128xf32, #tpu.memory_space<hbm>>
        %dma_start3A_96 = tpu.memref_slice %arg4[%add3A_75] : memref<331776xf32, #tpu.memory_space<hbm>> -> memref<128xf32, #tpu.memory_space<hbm>>
        tpu.enqueue_dma source(%dma_start3A_96 : memref<128xf32, #tpu.memory_space<hbm>>) target(%arg13 : memref<128xf32, #tpu.memory_space<vmem>>) target_semaphore(%run_scoped3A : memref<!tpu.dma_semaphore, #tpu.memory_space<semaphore_mem>>)
        %dma_wait3A_97 = tpu.memref_slice %arg4[%add3A_75] : memref<331776xf32, #tpu.memory_space<hbm>> -> memref<128xf32, #tpu.memory_space<hbm>>
        %dma_wait3A_98 = tpu.memref_slice %arg4[%add3A_75] : memref<331776xf32, #tpu.memory_space<hbm>> -> memref<128xf32, #tpu.memory_space<hbm>>
        tpu.wait_dma2 semaphore(%run_scoped3A : memref<!tpu.dma_semaphore, #tpu.memory_space<semaphore_mem>>) src(%dma_wait3A_98 : memref<128xf32, #tpu.memory_space<hbm>>) dst(%arg13 : memref<128xf32, #tpu.memory_space<vmem>>)
        tpu.yield
      }) : () -> ()
      %scan3A_76 = arith.constant 0 : i32
      %scan3A_77 = arith.constant 0 : i32
      %scan3A_78 = arith.constant 8 : i32
      %scan3A_79 = arith.addi %scan3A_77, %scan3A_78 : i32
      %scan3A_80 = arith.constant 1 : i32
      %scan3A_81 = scf.for %scan3A_95 = %scan3A_77 to %scan3A_79 step %scan3A_80 iter_args(%scan3A_96 = %scan3A_76) -> (i32)  : i32 {
        %mul3A_97 = arith.constant 16 : i32
        %mul3A_98 = arith.muli %scan3A_95, %mul3A_97 : i32
        %get3A = arith.index_cast %mul3A_98 : i32 to index
        %get3A_99 = tpu.vector_load %arg11[%get3A] {strides = array<i32>} : memref<128xi32, #tpu.memory_space<vmem>>, vector<16xi32>,
        %get3A_100 = arith.index_cast %mul3A_98 : i32 to index
        %get3A_101 = tpu.vector_load %arg12[%get3A_100] {strides = array<i32>} : memref<128xi32, #tpu.memory_space<vmem>>, vector<16xi32>,
        %gather3A = tpu.vector_load_idx %arg9[%get3A_99] : memref<10000xf32, #tpu.memory_space<vmem>>[vector<16xi32>], vector<16xf32>,
        %gather3A_102 = tpu.vector_load_idx %arg10[%get3A_101] : memref<10240xf32, #tpu.memory_space<vmem>>[vector<16xi32>], vector<16xf32>,
        %add3A_103 = arith.addf %gather3A, %gather3A_102 : vector<16xf32>
        %get3A_104 = arith.index_cast %mul3A_98 : i32 to index
        %get3A_105 = tpu.vector_load %arg13[%get3A_104] {strides = array<i32>} : memref<128xf32, #tpu.memory_space<vmem>>, vector<16xf32>,
        %add3A_106 = arith.addf %add3A_103, %get3A_105 : vector<16xf32>
        %gt3A = arith.constant 0.000000e+00 : f32
        %gt3A_107 = vector.broadcast %gt3A : f32 to vector<16xf32>
        %gt3A_108 = arith.cmpf ogt, %add3A_106, %gt3A_107 : vector<16xf32>
        %mul3A_109 = arith.constant 2.000000e-01 : f32
        %mul3A_110 = vector.broadcast %mul3A_109 : f32 to vector<16xf32>
        %mul3A_111 = arith.mulf %add3A_106, %mul3A_110 : vector<16xf32>
        %select_n3A = arith.select %gt3A_108, %add3A_106, %mul3A_111 : vector<16xi1>, vector<16xf32>
        %exp3A = math.exp %select_n3A : vector<16xf32>
        %swap3A = arith.index_cast %mul3A_98 : i32 to index
        %swap3A_112 = tpu.vector_load %arg14[%swap3A] {strides = array<i32>} : memref<128xf32, #tpu.memory_space<vmem>>, vector<16xf32>,
        tpu.vector_store %arg14[%swap3A], %exp3A {strides = array<i32>} : memref<128xf32, #tpu.memory_space<vmem>>, vector<16xf32>,
        %add3A_113 = vector.broadcast %mul3A_0 : i32 to vector<16xi32>
        %add3A_114 = arith.addi %get3A_99, %add3A_113 : vector<16xi32>
        %swap3A_115 = arith.index_cast %mul3A_98 : i32 to index
        %swap3A_116 = tpu.vector_load %arg11[%swap3A_115] {strides = array<i32>} : memref<128xi32, #tpu.memory_space<vmem>>, vector<16xi32>,
        tpu.vector_store %arg11[%swap3A_115], %add3A_114 {strides = array<i32>} : memref<128xi32, #tpu.memory_space<vmem>>, vector<16xi32>,
        %scan3A_117 = arith.constant 0 : i32
        scf.yield %scan3A_117 : i32
      }
      %scan3A_82 = arith.constant 8 : i32
      %dma_start3A = arith.constant 0 : i32
      %dma_start3A_83 = arith.constant 0 : i32
      %dma_start3A_84 = tpu.memref_slice %arg7[%dma_start3A, %dma_start3A_83] : memref<20000x32xf32, #tpu.memory_space<hbm>> -> memref<20000x32xf32, #tpu.memory_space<hbm>>
      tpu.enqueue_indirect_dma source(%dma_start3A_84 : memref<20000x32xf32, #tpu.memory_space<hbm>>) target(%arg15 : memref<128x32xf32, #tpu.memory_space<vmem>>) offsets(%arg11 : memref<128xi32, #tpu.memory_space<vmem>>) semaphore(%arg17 : memref<!tpu.dma_semaphore, #tpu.memory_space<semaphore_mem>>)
      %dma_wait3A = arith.constant 0 : i32
      %dma_wait3A_85 = arith.constant 0 : i32
      %dma_wait3A_86 = tpu.memref_slice %arg7[%dma_wait3A, %dma_wait3A_85] : memref<20000x32xf32, #tpu.memory_space<hbm>> -> memref<20000x32xf32, #tpu.memory_space<hbm>>
      tpu.wait_indirect_dma semaphore(%arg17 : memref<!tpu.dma_semaphore, #tpu.memory_space<semaphore_mem>>) src(%dma_wait3A_86 : memref<20000x32xf32, #tpu.memory_space<hbm>>) dst(%arg15 : memref<128x32xf32, #tpu.memory_space<vmem>>)
      %scan3A_87 = arith.constant 0 : i32
      %scan3A_88 = arith.constant 0 : i32
      %scan3A_89 = arith.constant 128 : i32
      %scan3A_90 = arith.addi %scan3A_88, %scan3A_89 : i32
      %scan3A_91 = arith.constant 1 : i32
      %scan3A_92 = scf.for %scan3A_95 = %scan3A_88 to %scan3A_90 step %scan3A_91 iter_args(%scan3A_96 = %scan3A_87) -> (i32)  : i32 {
        %broadcast_in_dim3A = vector.broadcast %scan3A_95 : i32 to vector<16xi32>
        %gather3A = tpu.vector_load_idx %arg14[%broadcast_in_dim3A] : memref<128xf32, #tpu.memory_space<vmem>>[vector<16xi32>], vector<16xf32>,
        %get3A = arith.index_cast %scan3A_95 : i32 to index
        %get3A_97 = arith.constant 0 : index
        %get3A_98 = tpu.vector_load %arg15[%get3A, %get3A_97] {strides = array<i32>} : memref<128x32xf32, #tpu.memory_space<vmem>>, vector<16xf32>,
        %mul3A_99 = arith.mulf %get3A_98, %gather3A : vector<16xf32>
        %swap3A = arith.index_cast %scan3A_95 : i32 to index
        %swap3A_100 = arith.constant 0 : index
        %swap3A_101 = tpu.vector_load %arg15[%swap3A, %swap3A_100] {strides = array<i32>} : memref<128x32xf32, #tpu.memory_space<vmem>>, vector<16xf32>,
        tpu.vector_store %arg15[%swap3A, %swap3A_100], %mul3A_99 {strides = array<i32>} : memref<128x32xf32, #tpu.memory_space<vmem>>, vector<16xf32>,
        %get3A_102 = arith.index_cast %scan3A_95 : i32 to index
        %get3A_103 = arith.constant 16 : index
        %get3A_104 = tpu.vector_load %arg15[%get3A_102, %get3A_103] {strides = array<i32>} : memref<128x32xf32, #tpu.memory_space<vmem>>, vector<16xf32>,
        %mul3A_105 = arith.mulf %get3A_104, %gather3A : vector<16xf32>
        %swap3A_106 = arith.index_cast %scan3A_95 : i32 to index
        %swap3A_107 = arith.constant 16 : index
        %swap3A_108 = tpu.vector_load %arg15[%swap3A_106, %swap3A_107] {strides = array<i32>} : memref<128x32xf32, #tpu.memory_space<vmem>>, vector<16xf32>,
        tpu.vector_store %arg15[%swap3A_106, %swap3A_107], %mul3A_105 {strides = array<i32>} : memref<128x32xf32, #tpu.memory_space<vmem>>, vector<16xf32>,
        %scan3A_109 = arith.constant 0 : i32
        scf.yield %scan3A_109 : i32
      }
      %scan3A_93 = arith.constant 128 : i32
      "tpu.region"() ({
        %run_scoped3A = tpu.sem_alloc : memref<!tpu.dma_semaphore, #tpu.memory_space<semaphore_mem>>
        %dma_start3A_95 = arith.constant 0 : i32
        %dma_start3A_96 = arith.constant 0 : i32
        %dma_start3A_97 = tpu.memref_slice %arg16[%dma_start3A_95, %dma_start3A_96] : memref<10240x32xf32, #tpu.memory_space<vmem_shared>> -> memref<10240x32xf32, #tpu.memory_space<vmem_shared>>
        tpu.enqueue_indirect_dma source(%arg15 : memref<128x32xf32, #tpu.memory_space<vmem>>) target(%dma_start3A_97 : memref<10240x32xf32, #tpu.memory_space<vmem_shared>>) offsets(%arg12 : memref<128xi32, #tpu.memory_space<vmem>>) semaphore(%run_scoped3A : memref<!tpu.dma_semaphore, #tpu.memory_space<semaphore_mem>>) {add = true}
        %dma_wait3A_98 = arith.constant 0 : i32
        %dma_wait3A_99 = arith.constant 0 : i32
        %dma_wait3A_100 = tpu.memref_slice %arg16[%dma_wait3A_98, %dma_wait3A_99] : memref<10240x32xf32, #tpu.memory_space<vmem_shared>> -> memref<10240x32xf32, #tpu.memory_space<vmem_shared>>
        tpu.wait_indirect_dma semaphore(%run_scoped3A : memref<!tpu.dma_semaphore, #tpu.memory_space<semaphore_mem>>) src(%arg15 : memref<128x32xf32, #tpu.memory_space<vmem>>) dst(%dma_wait3A_100 : memref<10240x32xf32, #tpu.memory_space<vmem_shared>>)
        tpu.yield
      }) : () -> ()
      %scan3A_94 = arith.constant 0 : i32
      scf.yield %scan3A_94 : i32
    }
    %scan3A_34 = arith.constant 162 : i32
    %barrier3A_35 = arith.constant 0 : index
    tpu.barrier barrier_id(%barrier3A_35)
    %mul3A_36 = arith.constant 640 : i32
    %mul3A_37 = arith.muli %arg1, %mul3A_36 : i32
    %add3A_38 = arith.constant 0 : i32
    %add3A_39 = arith.addi %mul3A_37, %add3A_38 : i32
    %mul3A_40 = arith.constant 10240 : i32
    %mul3A_41 = arith.muli %arg0, %mul3A_40 : i32
    %add3A_42 = arith.addi %mul3A_41, %add3A_39 : i32
    "tpu.region"() ({
      %run_scoped3A = tpu.sem_alloc : memref<!tpu.dma_semaphore, #tpu.memory_space<semaphore_mem>>
      %dma_start3A = arith.constant 0 : i32
      %dma_start3A_71 = tpu.memref_slice %arg8[%add3A_42, %dma_start3A] : memref<20480x32xf32, #tpu.memory_space<hbm>> -> memref<128x32xf32, #tpu.memory_space<hbm>>
      %dma_start3A_72 = arith.constant 0 : i32
      %dma_start3A_73 = tpu.memref_slice %arg16[%add3A_39, %dma_start3A_72] : memref<10240x32xf32, #tpu.memory_space<vmem_shared>> -> memref<128x32xf32, #tpu.memory_space<vmem_shared>>
      tpu.enqueue_dma source(%dma_start3A_73 : memref<128x32xf32, #tpu.memory_space<vmem_shared>>) target(%dma_start3A_71 : memref<128x32xf32, #tpu.memory_space<hbm>>) target_semaphore(%run_scoped3A : memref<!tpu.dma_semaphore, #tpu.memory_space<semaphore_mem>>)
      %dma_wait3A = arith.constant 0 : i32
      %dma_wait3A_74 = tpu.memref_slice %arg8[%add3A_42, %dma_wait3A] : memref<20480x32xf32, #tpu.memory_space<hbm>> -> memref<128x32xf32, #tpu.memory_space<hbm>>
      %dma_wait3A_75 = arith.constant 0 : i32
      %dma_wait3A_76 = tpu.memref_slice %arg16[%add3A_39, %dma_wait3A_75] : memref<10240x32xf32, #tpu.memory_space<vmem_shared>> -> memref<128x32xf32, #tpu.memory_space<vmem_shared>>
      tpu.wait_dma2 semaphore(%run_scoped3A : memref<!tpu.dma_semaphore, #tpu.memory_space<semaphore_mem>>) src(%dma_wait3A_76 : memref<128x32xf32, #tpu.memory_space<vmem_shared>>) dst(%dma_wait3A_74 : memref<128x32xf32, #tpu.memory_space<hbm>>)
      tpu.yield
    }) : () -> ()
    %mul3A_43 = arith.constant 640 : i32
    %mul3A_44 = arith.muli %arg1, %mul3A_43 : i32
    %add3A_45 = arith.constant 128 : i32
    %add3A_46 = arith.addi %mul3A_44, %add3A_45 : i32
    %mul3A_47 = arith.constant 10240 : i32
    %mul3A_48 = arith.muli %arg0, %mul3A_47 : i32
    %add3A_49 = arith.addi %mul3A_48, %add3A_46 : i32
    "tpu.region"() ({
      %run_scoped3A = tpu.sem_alloc : memref<!tpu.dma_semaphore, #tpu.memory_space<semaphore_mem>>
      %dma_start3A = arith.constant 0 : i32
      %dma_start3A_71 = tpu.memref_slice %arg8[%add3A_49, %dma_start3A] : memref<20480x32xf32, #tpu.memory_space<hbm>> -> memref<128x32xf32, #tpu.memory_space<hbm>>
      %dma_start3A_72 = arith.constant 0 : i32
      %dma_start3A_73 = tpu.memref_slice %arg16[%add3A_46, %dma_start3A_72] : memref<10240x32xf32, #tpu.memory_space<vmem_shared>> -> memref<128x32xf32, #tpu.memory_space<vmem_shared>>
      tpu.enqueue_dma source(%dma_start3A_73 : memref<128x32xf32, #tpu.memory_space<vmem_shared>>) target(%dma_start3A_71 : memref<128x32xf32, #tpu.memory_space<hbm>>) target_semaphore(%run_scoped3A : memref<!tpu.dma_semaphore, #tpu.memory_space<semaphore_mem>>)
      %dma_wait3A = arith.constant 0 : i32
      %dma_wait3A_74 = tpu.memref_slice %arg8[%add3A_49, %dma_wait3A] : memref<20480x32xf32, #tpu.memory_space<hbm>> -> memref<128x32xf32, #tpu.memory_space<hbm>>
      %dma_wait3A_75 = arith.constant 0 : i32
      %dma_wait3A_76 = tpu.memref_slice %arg16[%add3A_46, %dma_wait3A_75] : memref<10240x32xf32, #tpu.memory_space<vmem_shared>> -> memref<128x32xf32, #tpu.memory_space<vmem_shared>>
      tpu.wait_dma2 semaphore(%run_scoped3A : memref<!tpu.dma_semaphore, #tpu.memory_space<semaphore_mem>>) src(%dma_wait3A_76 : memref<128x32xf32, #tpu.memory_space<vmem_shared>>) dst(%dma_wait3A_74 : memref<128x32xf32, #tpu.memory_space<hbm>>)
      tpu.yield
    }) : () -> ()
    %mul3A_50 = arith.constant 640 : i32
    %mul3A_51 = arith.muli %arg1, %mul3A_50 : i32
    %add3A_52 = arith.constant 256 : i32
    %add3A_53 = arith.addi %mul3A_51, %add3A_52 : i32
    %mul3A_54 = arith.constant 10240 : i32
    %mul3A_55 = arith.muli %arg0, %mul3A_54 : i32
    %add3A_56 = arith.addi %mul3A_55, %add3A_53 : i32
    "tpu.region"() ({
      %run_scoped3A = tpu.sem_alloc : memref<!tpu.dma_semaphore, #tpu.memory_space<semaphore_mem>>
      %dma_start3A = arith.constant 0 : i32
      %dma_start3A_71 = tpu.memref_slice %arg8[%add3A_56, %dma_start3A] : memref<20480x32xf32, #tpu.memory_space<hbm>> -> memref<128x32xf32, #tpu.memory_space<hbm>>
      %dma_start3A_72 = arith.constant 0 : i32
      %dma_start3A_73 = tpu.memref_slice %arg16[%add3A_53, %dma_start3A_72] : memref<10240x32xf32, #tpu.memory_space<vmem_shared>> -> memref<128x32xf32, #tpu.memory_space<vmem_shared>>
      tpu.enqueue_dma source(%dma_start3A_73 : memref<128x32xf32, #tpu.memory_space<vmem_shared>>) target(%dma_start3A_71 : memref<128x32xf32, #tpu.memory_space<hbm>>) target_semaphore(%run_scoped3A : memref<!tpu.dma_semaphore, #tpu.memory_space<semaphore_mem>>)
      %dma_wait3A = arith.constant 0 : i32
      %dma_wait3A_74 = tpu.memref_slice %arg8[%add3A_56, %dma_wait3A] : memref<20480x32xf32, #tpu.memory_space<hbm>> -> memref<128x32xf32, #tpu.memory_space<hbm>>
      %dma_wait3A_75 = arith.constant 0 : i32
      %dma_wait3A_76 = tpu.memref_slice %arg16[%add3A_53, %dma_wait3A_75] : memref<10240x32xf32, #tpu.memory_space<vmem_shared>> -> memref<128x32xf32, #tpu.memory_space<vmem_shared>>
      tpu.wait_dma2 semaphore(%run_scoped3A : memref<!tpu.dma_semaphore, #tpu.memory_space<semaphore_mem>>) src(%dma_wait3A_76 : memref<128x32xf32, #tpu.memory_space<vmem_shared>>) dst(%dma_wait3A_74 : memref<128x32xf32, #tpu.memory_space<hbm>>)
      tpu.yield
    }) : () -> ()
    %mul3A_57 = arith.constant 640 : i32
    %mul3A_58 = arith.muli %arg1, %mul3A_57 : i32
    %add3A_59 = arith.constant 384 : i32
    %add3A_60 = arith.addi %mul3A_58, %add3A_59 : i32
    %mul3A_61 = arith.constant 10240 : i32
    %mul3A_62 = arith.muli %arg0, %mul3A_61 : i32
    %add3A_63 = arith.addi %mul3A_62, %add3A_60 : i32
    "tpu.region"() ({
      %run_scoped3A = tpu.sem_alloc : memref<!tpu.dma_semaphore, #tpu.memory_space<semaphore_mem>>
      %dma_start3A = arith.constant 0 : i32
      %dma_start3A_71 = tpu.memref_slice %arg8[%add3A_63, %dma_start3A] : memref<20480x32xf32, #tpu.memory_space<hbm>> -> memref<128x32xf32, #tpu.memory_space<hbm>>
      %dma_start3A_72 = arith.constant 0 : i32
      %dma_start3A_73 = tpu.memref_slice %arg16[%add3A_60, %dma_start3A_72] : memref<10240x32xf32, #tpu.memory_space<vmem_shared>> -> memref<128x32xf32, #tpu.memory_space<vmem_shared>>
      tpu.enqueue_dma source(%dma_start3A_73 : memref<128x32xf32, #tpu.memory_space<vmem_shared>>) target(%dma_start3A_71 : memref<128x32xf32, #tpu.memory_space<hbm>>) target_semaphore(%run_scoped3A : memref<!tpu.dma_semaphore, #tpu.memory_space<semaphore_mem>>)
      %dma_wait3A = arith.constant 0 : i32
      %dma_wait3A_74 = tpu.memref_slice %arg8[%add3A_63, %dma_wait3A] : memref<20480x32xf32, #tpu.memory_space<hbm>> -> memref<128x32xf32, #tpu.memory_space<hbm>>
      %dma_wait3A_75 = arith.constant 0 : i32
      %dma_wait3A_76 = tpu.memref_slice %arg16[%add3A_60, %dma_wait3A_75] : memref<10240x32xf32, #tpu.memory_space<vmem_shared>> -> memref<128x32xf32, #tpu.memory_space<vmem_shared>>
      tpu.wait_dma2 semaphore(%run_scoped3A : memref<!tpu.dma_semaphore, #tpu.memory_space<semaphore_mem>>) src(%dma_wait3A_76 : memref<128x32xf32, #tpu.memory_space<vmem_shared>>) dst(%dma_wait3A_74 : memref<128x32xf32, #tpu.memory_space<hbm>>)
      tpu.yield
    }) : () -> ()
    %mul3A_64 = arith.constant 640 : i32
    %mul3A_65 = arith.muli %arg1, %mul3A_64 : i32
    %add3A_66 = arith.constant 512 : i32
    %add3A_67 = arith.addi %mul3A_65, %add3A_66 : i32
    %mul3A_68 = arith.constant 10240 : i32
    %mul3A_69 = arith.muli %arg0, %mul3A_68 : i32
    %add3A_70 = arith.addi %mul3A_69, %add3A_67 : i32
    "tpu.region"() ({
      %run_scoped3A = tpu.sem_alloc : memref<!tpu.dma_semaphore, #tpu.memory_space<semaphore_mem>>
      %dma_start3A = arith.constant 0 : i32
      %dma_start3A_71 = tpu.memref_slice %arg8[%add3A_70, %dma_start3A] : memref<20480x32xf32, #tpu.memory_space<hbm>> -> memref<128x32xf32, #tpu.memory_space<hbm>>
      %dma_start3A_72 = arith.constant 0 : i32
      %dma_start3A_73 = tpu.memref_slice %arg16[%add3A_67, %dma_start3A_72] : memref<10240x32xf32, #tpu.memory_space<vmem_shared>> -> memref<128x32xf32, #tpu.memory_space<vmem_shared>>
      tpu.enqueue_dma source(%dma_start3A_73 : memref<128x32xf32, #tpu.memory_space<vmem_shared>>) target(%dma_start3A_71 : memref<128x32xf32, #tpu.memory_space<hbm>>) target_semaphore(%run_scoped3A : memref<!tpu.dma_semaphore, #tpu.memory_space<semaphore_mem>>)
      %dma_wait3A = arith.constant 0 : i32
      %dma_wait3A_74 = tpu.memref_slice %arg8[%add3A_70, %dma_wait3A] : memref<20480x32xf32, #tpu.memory_space<hbm>> -> memref<128x32xf32, #tpu.memory_space<hbm>>
      %dma_wait3A_75 = arith.constant 0 : i32
      %dma_wait3A_76 = tpu.memref_slice %arg16[%add3A_67, %dma_wait3A_75] : memref<10240x32xf32, #tpu.memory_space<vmem_shared>> -> memref<128x32xf32, #tpu.memory_space<vmem_shared>>
      tpu.wait_dma2 semaphore(%run_scoped3A : memref<!tpu.dma_semaphore, #tpu.memory_space<semaphore_mem>>) src(%dma_wait3A_76 : memref<128x32xf32, #tpu.memory_space<vmem_shared>>) dst(%dma_wait3A_74 : memref<128x32xf32, #tpu.memory_space<hbm>>)
      tpu.yield
    }) : () -> ()
    return
  }
}

module attributes {stable_mosaic.version = 14 : i64} {
  func.func @_k1a_body(%arg0: i32, %arg1: memref<2x32000xf32, #tpu.memory_space<vmem>>, %arg2: memref<8x2xf32, #tpu.memory_space<vmem>>, %arg3: memref<8x1xf32, #tpu.memory_space<vmem>>, %arg4: memref<8x8xf32, #tpu.memory_space<vmem>>, %arg5: memref<1x8xf32, #tpu.memory_space<vmem>>, %arg6: memref<8x32000xf32, #tpu.memory_space<vmem>>, %arg7: memref<1x32000xf32, #tpu.memory_space<vmem>>, %arg8: memref<8x1xf32, #tpu.memory_space<vmem>>, %arg9: memref<8x1xf32, #tpu.memory_space<vmem>>) attributes {dimension_semantics = [#tpu.dimension_semantics<arbitrary>], iteration_bounds = array<i64: 10>, scalar_prefetch = 0 : i64, scratch_operands = 1 : i64, tpu.core_type = #tpu.core_type<tc>, window_params = [{transform_indices = @transform_0, window_bounds = array<i64: 2, 32000>}, {pipeline_mode = #tpu.pipeline_mode<synchronous>, transform_indices = @transform_1, window_bounds = array<i64: 8, 2>}, {pipeline_mode = #tpu.pipeline_mode<synchronous>, transform_indices = @transform_2, window_bounds = array<i64: 8, 1>}, {pipeline_mode = #tpu.pipeline_mode<synchronous>, transform_indices = @transform_3, window_bounds = array<i64: 8, 8>}, {pipeline_mode = #tpu.pipeline_mode<synchronous>, transform_indices = @transform_4, window_bounds = array<i64: 1, 8>}, {transform_indices = @transform_5, window_bounds = array<i64: 8, 32000>}, {transform_indices = @transform_6, window_bounds = array<i64: 1, 32000>}, {pipeline_mode = #tpu.pipeline_mode<synchronous>, transform_indices = @transform_7, window_bounds = array<i64: 8, 1>}]} {
    %get3A = arith.constant 0 : index
    %get3A_0 = arith.constant 0 : index
    %get3A_1 = vector.load %arg2[%get3A, %get3A_0] : memref<8x2xf32, #tpu.memory_space<vmem>>, vector<8x2xf32>
    %get3A_2 = arith.constant 0 : index
    %get3A_3 = arith.constant 0 : index
    %get3A_4 = vector.load %arg1[%get3A_2, %get3A_3] : memref<2x32000xf32, #tpu.memory_space<vmem>>, vector<2x32000xf32>
    %dot_general3A = arith.constant dense<0.000000e+00> : vector<8x32000xf32>
    %dot_general3A_5 = tpu.matmul %get3A_1, %get3A_4, %dot_general3A {dimension_numbers = #tpu.dot_dimension_numbers<[1], [0], [0], [1], [0, 0, 1, 1], [], []>, transpose_lhs_hint = false} : vector<8x2xf32>, vector<2x32000xf32>, vector<8x32000xf32> -> vector<8x32000xf32>
    %get3A_6 = arith.constant 0 : index
    %get3A_7 = arith.constant 0 : index
    %get3A_8 = vector.load %arg3[%get3A_6, %get3A_7] : memref<8x1xf32, #tpu.memory_space<vmem>>, vector<8x1xf32>
    %add3A = vector.broadcast %get3A_8 : vector<8x1xf32> to vector<8x32000xf32>
    %add3A_9 = arith.addf %dot_general3A_5, %add3A : vector<8x32000xf32>
    %max3A = arith.constant 0.000000e+00 : f32
    %max3A_10 = vector.broadcast %max3A : f32 to vector<8x32000xf32>
    %max3A_11 = arith.maximumf %add3A_9, %max3A_10 : vector<8x32000xf32>
    %get3A_12 = arith.constant 0 : index
    %get3A_13 = arith.constant 0 : index
    %get3A_14 = vector.load %arg4[%get3A_12, %get3A_13] : memref<8x8xf32, #tpu.memory_space<vmem>>, vector<8x8xf32>
    %dot_general3A_15 = arith.constant dense<0.000000e+00> : vector<8x32000xf32>
    %dot_general3A_16 = tpu.matmul %get3A_14, %max3A_11, %dot_general3A_15 {dimension_numbers = #tpu.dot_dimension_numbers<[1], [0], [0], [1], [0, 0, 1, 1], [], []>, transpose_lhs_hint = false} : vector<8x8xf32>, vector<8x32000xf32>, vector<8x32000xf32> -> vector<8x32000xf32>
    %swap3A = arith.constant 0 : index
    %swap3A_17 = arith.constant 0 : index
    %swap3A_18 = vector.load %arg6[%swap3A, %swap3A_17] : memref<8x32000xf32, #tpu.memory_space<vmem>>, vector<8x32000xf32>
    tpu.vector_store %arg6[%swap3A, %swap3A_17], %dot_general3A_16 {strides = array<i32>} : memref<8x32000xf32, #tpu.memory_space<vmem>>, vector<8x32000xf32>,
    %get3A_19 = arith.constant 0 : index
    %get3A_20 = arith.constant 0 : index
    %get3A_21 = vector.load %arg5[%get3A_19, %get3A_20] : memref<1x8xf32, #tpu.memory_space<vmem>>, vector<1x8xf32>
    %dot_general3A_22 = arith.constant dense<0.000000e+00> : vector<1x32000xf32>
    %dot_general3A_23 = tpu.matmul %get3A_21, %max3A_11, %dot_general3A_22 {dimension_numbers = #tpu.dot_dimension_numbers<[1], [0], [0], [1], [0, 0, 1, 1], [], []>, transpose_lhs_hint = false} : vector<1x8xf32>, vector<8x32000xf32>, vector<1x32000xf32> -> vector<1x32000xf32>
    %swap3A_24 = arith.constant 0 : index
    %swap3A_25 = arith.constant 0 : index
    %swap3A_26 = vector.load %arg7[%swap3A_24, %swap3A_25] : memref<1x32000xf32, #tpu.memory_space<vmem>>, vector<1x32000xf32>
    tpu.vector_store %arg7[%swap3A_24, %swap3A_25], %dot_general3A_23 {strides = array<i32>} : memref<1x32000xf32, #tpu.memory_space<vmem>>, vector<1x32000xf32>,
    %eq3A = arith.constant 0 : i32
    %eq3A_27 = arith.cmpi eq, %arg0, %eq3A : i32
    %convert_element_type3A = arith.extui %eq3A_27 : i1 to i32
    %cond3A = arith.constant 0 : i32
    %cond3A_28 = arith.cmpi ne, %convert_element_type3A, %cond3A : i32
    scf.if %cond3A_28 {
      %broadcast_in_dim3A_43 = arith.constant 0.000000e+00 : f32
      %broadcast_in_dim3A_44 = vector.broadcast %broadcast_in_dim3A_43 : f32 to vector<8x1xf32>
      %swap3A_45 = arith.constant 0 : index
      %swap3A_46 = arith.constant 0 : index
      %swap3A_47 = vector.load %arg9[%swap3A_45, %swap3A_46] : memref<8x1xf32, #tpu.memory_space<vmem>>, vector<8x1xf32>
      tpu.vector_store %arg9[%swap3A_45, %swap3A_46], %broadcast_in_dim3A_44 {strides = array<i32>} : memref<8x1xf32, #tpu.memory_space<vmem>>, vector<8x1xf32>,
    } else {
    }
    %get3A_29 = arith.constant 0 : index
    %get3A_30 = arith.constant 0 : index
    %get3A_31 = vector.load %arg9[%get3A_29, %get3A_30] : memref<8x1xf32, #tpu.memory_space<vmem>>, vector<8x1xf32>
    %reduce_sum3A = arith.constant dense<0.000000e+00> : vector<8xf32>
    %reduce_sum3A_32 = vector.multi_reduction <add>, %max3A_11, %reduce_sum3A [1] : vector<8x32000xf32> to vector<8xf32>
    %broadcast_in_dim3A = vector.shape_cast %reduce_sum3A_32 : vector<8xf32> to vector<8x1xf32>
    %add3A_33 = arith.addf %get3A_31, %broadcast_in_dim3A : vector<8x1xf32>
    %swap3A_34 = arith.constant 0 : index
    %swap3A_35 = arith.constant 0 : index
    %swap3A_36 = vector.load %arg9[%swap3A_34, %swap3A_35] : memref<8x1xf32, #tpu.memory_space<vmem>>, vector<8x1xf32>
    tpu.vector_store %arg9[%swap3A_34, %swap3A_35], %add3A_33 {strides = array<i32>} : memref<8x1xf32, #tpu.memory_space<vmem>>, vector<8x1xf32>,
    %get3A_37 = arith.constant 0 : index
    %get3A_38 = arith.constant 0 : index
    %get3A_39 = vector.load %arg9[%get3A_37, %get3A_38] : memref<8x1xf32, #tpu.memory_space<vmem>>, vector<8x1xf32>
    %swap3A_40 = arith.constant 0 : index
    %swap3A_41 = arith.constant 0 : index
    %swap3A_42 = vector.load %arg8[%swap3A_40, %swap3A_41] : memref<8x1xf32, #tpu.memory_space<vmem>>, vector<8x1xf32>
    tpu.vector_store %arg8[%swap3A_40, %swap3A_41], %get3A_39 {strides = array<i32>} : memref<8x1xf32, #tpu.memory_space<vmem>>, vector<8x1xf32>,
    return
  }
  func.func @transform_0(%arg0: i32) -> (i32, i32) {
    %c0_i32 = arith.constant 0 : i32
    %c0_i32_0 = arith.constant 0 : i32
    return %c0_i32, %arg0 : i32, i32
  }
  func.func @transform_1(%arg0: i32) -> (i32, i32) {
    %c0_i32 = arith.constant 0 : i32
    %c0_i32_0 = arith.constant 0 : i32
    %c0_i32_1 = arith.constant 0 : i32
    return %c0_i32, %c0_i32_0 : i32, i32
  }
  func.func @transform_2(%arg0: i32) -> (i32, i32) {
    %c0_i32 = arith.constant 0 : i32
    %c0_i32_0 = arith.constant 0 : i32
    %c0_i32_1 = arith.constant 0 : i32
    return %c0_i32, %c0_i32_0 : i32, i32
  }
  func.func @transform_3(%arg0: i32) -> (i32, i32) {
    %c0_i32 = arith.constant 0 : i32
    %c0_i32_0 = arith.constant 0 : i32
    %c0_i32_1 = arith.constant 0 : i32
    return %c0_i32, %c0_i32_0 : i32, i32
  }
  func.func @transform_4(%arg0: i32) -> (i32, i32) {
    %c0_i32 = arith.constant 0 : i32
    %c0_i32_0 = arith.constant 0 : i32
    %c0_i32_1 = arith.constant 0 : i32
    return %c0_i32, %c0_i32_0 : i32, i32
  }
  func.func @transform_5(%arg0: i32) -> (i32, i32) {
    %c0_i32 = arith.constant 0 : i32
    %c0_i32_0 = arith.constant 0 : i32
    return %c0_i32, %arg0 : i32, i32
  }
  func.func @transform_6(%arg0: i32) -> (i32, i32) {
    %c0_i32 = arith.constant 0 : i32
    %c0_i32_0 = arith.constant 0 : i32
    return %c0_i32, %arg0 : i32, i32
  }
  func.func @transform_7(%arg0: i32) -> (i32, i32) {
    %c0_i32 = arith.constant 0 : i32
    %c0_i32_0 = arith.constant 0 : i32
    %c0_i32_1 = arith.constant 0 : i32
    return %c0_i32, %c0_i32_0 : i32, i32
  }
}

module attributes {stable_mosaic.version = 14 : i64} {
  func.func @_k1b_body(%arg0: i32, %arg1: memref<1000x128xf32, #tpu.memory_space<vmem>>, %arg2: memref<128x256xf32, #tpu.memory_space<vmem>>, %arg3: memref<256x8xf32, #tpu.memory_space<vmem>>, %arg4: memref<256x8xf32, #tpu.memory_space<vmem>>, %arg5: memref<2x1000x144xf32, #tpu.memory_space<vmem>>, %arg6: memref<2x1000x4xf32, #tpu.memory_space<vmem>>, %arg7: memref<2x1000x4xf32, #tpu.memory_space<vmem>>) attributes {dimension_semantics = [#tpu.dimension_semantics<arbitrary>], iteration_bounds = array<i64: 10>, scalar_prefetch = 0 : i64, scratch_operands = 0 : i64, tpu.core_type = #tpu.core_type<tc>, window_params = [{transform_indices = @transform_0, window_bounds = array<i64: 1000, 128>}, {pipeline_mode = #tpu.pipeline_mode<synchronous>, transform_indices = @transform_1, window_bounds = array<i64: 128, 256>}, {pipeline_mode = #tpu.pipeline_mode<synchronous>, transform_indices = @transform_2, window_bounds = array<i64: 256, 8>}, {pipeline_mode = #tpu.pipeline_mode<synchronous>, transform_indices = @transform_3, window_bounds = array<i64: 256, 8>}, {transform_indices = @transform_4, window_bounds = array<i64: 2, 1000, 144>}, {transform_indices = @transform_5, window_bounds = array<i64: 2, 1000, 4>}, {transform_indices = @transform_6, window_bounds = array<i64: 2, 1000, 4>}]} {
    %get3A = arith.constant 0 : index
    %get3A_0 = arith.constant 0 : index
    %get3A_1 = vector.load %arg1[%get3A, %get3A_0] : memref<1000x128xf32, #tpu.memory_space<vmem>>, vector<1000x128xf32>
    %get3A_2 = arith.constant 0 : index
    %get3A_3 = arith.constant 0 : index
    %get3A_4 = vector.load %arg2[%get3A_2, %get3A_3] : memref<128x256xf32, #tpu.memory_space<vmem>>, vector<128x256xf32>
    %dot_general3A = arith.constant dense<0.000000e+00> : vector<1000x256xf32>
    %dot_general3A_5 = tpu.matmul %get3A_1, %get3A_4, %dot_general3A {dimension_numbers = #tpu.dot_dimension_numbers<[1], [0], [0], [1], [0, 0, 1, 1], [], []>, transpose_lhs_hint = false} : vector<1000x128xf32>, vector<128x256xf32>, vector<1000x256xf32> -> vector<1000x256xf32>
    %broadcast_in_dim3A = arith.constant 1.000000e+00 : f32
    %broadcast_in_dim3A_6 = vector.broadcast %broadcast_in_dim3A : f32 to vector<1000x4xf32>
    %broadcast_in_dim3A_7 = arith.constant 0.000000e+00 : f32
    %broadcast_in_dim3A_8 = vector.broadcast %broadcast_in_dim3A_7 : f32 to vector<1000x12xf32>
    %slice3A = vector.extract_strided_slice %dot_general3A_5 {offsets = [0, 0], sizes = [1000, 128], strides = [1, 1]} : vector<1000x256xf32> to vector<1000x128xf32>
    %concatenate3A = tpu.concatenate %slice3A, %broadcast_in_dim3A_6, %broadcast_in_dim3A_8 in 1 : vector<1000x128xf32>, vector<1000x4xf32>, vector<1000x12xf32> -> vector<1000x144xf32>
    %swap3A = arith.constant 0 : index
    %swap3A_9 = arith.constant 0 : index
    %swap3A_10 = arith.constant 0 : index
    %swap3A_11 = vector.load %arg5[%swap3A, %swap3A_9, %swap3A_10] : memref<2x1000x144xf32, #tpu.memory_space<vmem>>, vector<1x1000x144xf32>
    %swap3A_12 = vector.shape_cast %swap3A_11 : vector<1x1000x144xf32> to vector<1000x144xf32>
    %swap3A_13 = vector.shape_cast %concatenate3A : vector<1000x144xf32> to vector<1x1000x144xf32>
    tpu.vector_store %arg5[%swap3A, %swap3A_9, %swap3A_10], %swap3A_13 {strides = array<i32>} : memref<2x1000x144xf32, #tpu.memory_space<vmem>>, vector<1x1000x144xf32>,
    %slice3A_14 = vector.extract_strided_slice %dot_general3A_5 {offsets = [0, 128], sizes = [1000, 128], strides = [1, 1]} : vector<1000x256xf32> to vector<1000x128xf32>
    %concatenate3A_15 = tpu.concatenate %slice3A_14, %broadcast_in_dim3A_6, %broadcast_in_dim3A_8 in 1 : vector<1000x128xf32>, vector<1000x4xf32>, vector<1000x12xf32> -> vector<1000x144xf32>
    %swap3A_16 = arith.constant 1 : index
    %swap3A_17 = arith.constant 0 : index
    %swap3A_18 = arith.constant 0 : index
    %swap3A_19 = vector.load %arg5[%swap3A_16, %swap3A_17, %swap3A_18] : memref<2x1000x144xf32, #tpu.memory_space<vmem>>, vector<1x1000x144xf32>
    %swap3A_20 = vector.shape_cast %swap3A_19 : vector<1x1000x144xf32> to vector<1000x144xf32>
    %swap3A_21 = vector.shape_cast %concatenate3A_15 : vector<1000x144xf32> to vector<1x1000x144xf32>
    tpu.vector_store %arg5[%swap3A_16, %swap3A_17, %swap3A_18], %swap3A_21 {strides = array<i32>} : memref<2x1000x144xf32, #tpu.memory_space<vmem>>, vector<1x1000x144xf32>,
    %get3A_22 = arith.constant 0 : index
    %get3A_23 = arith.constant 0 : index
    %get3A_24 = vector.load %arg3[%get3A_22, %get3A_23] : memref<256x8xf32, #tpu.memory_space<vmem>>, vector<256x8xf32>
    %dot_general3A_25 = arith.constant dense<0.000000e+00> : vector<1000x8xf32>
    %dot_general3A_26 = tpu.matmul %dot_general3A_5, %get3A_24, %dot_general3A_25 {dimension_numbers = #tpu.dot_dimension_numbers<[1], [0], [0], [1], [0, 0, 1, 1], [], []>, transpose_lhs_hint = false} : vector<1000x256xf32>, vector<256x8xf32>, vector<1000x8xf32> -> vector<1000x8xf32>
    %get3A_27 = arith.constant 0 : index
    %get3A_28 = arith.constant 0 : index
    %get3A_29 = vector.load %arg4[%get3A_27, %get3A_28] : memref<256x8xf32, #tpu.memory_space<vmem>>, vector<256x8xf32>
    %dot_general3A_30 = arith.constant dense<0.000000e+00> : vector<1000x8xf32>
    %dot_general3A_31 = tpu.matmul %dot_general3A_5, %get3A_29, %dot_general3A_30 {dimension_numbers = #tpu.dot_dimension_numbers<[1], [0], [0], [1], [0, 0, 1, 1], [], []>, transpose_lhs_hint = false} : vector<1000x256xf32>, vector<256x8xf32>, vector<1000x8xf32> -> vector<1000x8xf32>
    %slice3A_32 = vector.extract_strided_slice %dot_general3A_26 {offsets = [0, 0], sizes = [1000, 4], strides = [1, 1]} : vector<1000x8xf32> to vector<1000x4xf32>
    %swap3A_33 = arith.constant 0 : index
    %swap3A_34 = arith.constant 0 : index
    %swap3A_35 = arith.constant 0 : index
    %swap3A_36 = vector.load %arg6[%swap3A_33, %swap3A_34, %swap3A_35] : memref<2x1000x4xf32, #tpu.memory_space<vmem>>, vector<1x1000x4xf32>
    %swap3A_37 = vector.shape_cast %swap3A_36 : vector<1x1000x4xf32> to vector<1000x4xf32>
    %swap3A_38 = vector.shape_cast %slice3A_32 : vector<1000x4xf32> to vector<1x1000x4xf32>
    tpu.vector_store %arg6[%swap3A_33, %swap3A_34, %swap3A_35], %swap3A_38 {strides = array<i32>} : memref<2x1000x4xf32, #tpu.memory_space<vmem>>, vector<1x1000x4xf32>,
    %slice3A_39 = vector.extract_strided_slice %dot_general3A_26 {offsets = [0, 4], sizes = [1000, 4], strides = [1, 1]} : vector<1000x8xf32> to vector<1000x4xf32>
    %swap3A_40 = arith.constant 1 : index
    %swap3A_41 = arith.constant 0 : index
    %swap3A_42 = arith.constant 0 : index
    %swap3A_43 = vector.load %arg6[%swap3A_40, %swap3A_41, %swap3A_42] : memref<2x1000x4xf32, #tpu.memory_space<vmem>>, vector<1x1000x4xf32>
    %swap3A_44 = vector.shape_cast %swap3A_43 : vector<1x1000x4xf32> to vector<1000x4xf32>
    %swap3A_45 = vector.shape_cast %slice3A_39 : vector<1000x4xf32> to vector<1x1000x4xf32>
    tpu.vector_store %arg6[%swap3A_40, %swap3A_41, %swap3A_42], %swap3A_45 {strides = array<i32>} : memref<2x1000x4xf32, #tpu.memory_space<vmem>>, vector<1x1000x4xf32>,
    %slice3A_46 = vector.extract_strided_slice %dot_general3A_31 {offsets = [0, 0], sizes = [1000, 4], strides = [1, 1]} : vector<1000x8xf32> to vector<1000x4xf32>
    %swap3A_47 = arith.constant 0 : index
    %swap3A_48 = arith.constant 0 : index
    %swap3A_49 = arith.constant 0 : index
    %swap3A_50 = vector.load %arg7[%swap3A_47, %swap3A_48, %swap3A_49] : memref<2x1000x4xf32, #tpu.memory_space<vmem>>, vector<1x1000x4xf32>
    %swap3A_51 = vector.shape_cast %swap3A_50 : vector<1x1000x4xf32> to vector<1000x4xf32>
    %swap3A_52 = vector.shape_cast %slice3A_46 : vector<1000x4xf32> to vector<1x1000x4xf32>
    tpu.vector_store %arg7[%swap3A_47, %swap3A_48, %swap3A_49], %swap3A_52 {strides = array<i32>} : memref<2x1000x4xf32, #tpu.memory_space<vmem>>, vector<1x1000x4xf32>,
    %slice3A_53 = vector.extract_strided_slice %dot_general3A_31 {offsets = [0, 4], sizes = [1000, 4], strides = [1, 1]} : vector<1000x8xf32> to vector<1000x4xf32>
    %swap3A_54 = arith.constant 1 : index
    %swap3A_55 = arith.constant 0 : index
    %swap3A_56 = arith.constant 0 : index
    %swap3A_57 = vector.load %arg7[%swap3A_54, %swap3A_55, %swap3A_56] : memref<2x1000x4xf32, #tpu.memory_space<vmem>>, vector<1x1000x4xf32>
    %swap3A_58 = vector.shape_cast %swap3A_57 : vector<1x1000x4xf32> to vector<1000x4xf32>
    %swap3A_59 = vector.shape_cast %slice3A_53 : vector<1000x4xf32> to vector<1x1000x4xf32>
    tpu.vector_store %arg7[%swap3A_54, %swap3A_55, %swap3A_56], %swap3A_59 {strides = array<i32>} : memref<2x1000x4xf32, #tpu.memory_space<vmem>>, vector<1x1000x4xf32>,
    return
  }
  func.func @transform_0(%arg0: i32) -> (i32, i32) {
    %c0_i32 = arith.constant 0 : i32
    %c0_i32_0 = arith.constant 0 : i32
    return %arg0, %c0_i32 : i32, i32
  }
  func.func @transform_1(%arg0: i32) -> (i32, i32) {
    %c0_i32 = arith.constant 0 : i32
    %c0_i32_0 = arith.constant 0 : i32
    %c0_i32_1 = arith.constant 0 : i32
    return %c0_i32, %c0_i32_0 : i32, i32
  }
  func.func @transform_2(%arg0: i32) -> (i32, i32) {
    %c0_i32 = arith.constant 0 : i32
    %c0_i32_0 = arith.constant 0 : i32
    %c0_i32_1 = arith.constant 0 : i32
    return %c0_i32, %c0_i32_0 : i32, i32
  }
  func.func @transform_3(%arg0: i32) -> (i32, i32) {
    %c0_i32 = arith.constant 0 : i32
    %c0_i32_0 = arith.constant 0 : i32
    %c0_i32_1 = arith.constant 0 : i32
    return %c0_i32, %c0_i32_0 : i32, i32
  }
  func.func @transform_4(%arg0: i32) -> (i32, i32, i32) {
    %c0_i32 = arith.constant 0 : i32
    %c0_i32_0 = arith.constant 0 : i32
    %c0_i32_1 = arith.constant 0 : i32
    return %c0_i32, %arg0, %c0_i32_0 : i32, i32, i32
  }
  func.func @transform_5(%arg0: i32) -> (i32, i32, i32) {
    %c0_i32 = arith.constant 0 : i32
    %c0_i32_0 = arith.constant 0 : i32
    %c0_i32_1 = arith.constant 0 : i32
    return %c0_i32, %arg0, %c0_i32_0 : i32, i32, i32
  }
  func.func @transform_6(%arg0: i32) -> (i32, i32, i32) {
    %c0_i32 = arith.constant 0 : i32
    %c0_i32_0 = arith.constant 0 : i32
    %c0_i32_1 = arith.constant 0 : i32
    return %c0_i32, %arg0, %c0_i32_0 : i32, i32, i32
  }
}

module attributes {stable_mosaic.version = 14 : i64} {
  func.func @_k3_body(%arg0: i32, %arg1: memref<2x1000x144xf32, #tpu.memory_space<vmem>>, %arg2: memref<256x32xf32, #tpu.memory_space<vmem>>, %arg3: memref<4x128xf32, #tpu.memory_space<vmem>>, %arg4: memref<1x256xf32, #tpu.memory_space<vmem>>, %arg5: memref<32x1xf32, #tpu.memory_space<vmem>>, %arg6: memref<32x1xf32, #tpu.memory_space<vmem>>, %arg7: memref<2x1000x32xf32, #tpu.memory_space<vmem>>, %arg8: memref<1000x1xf32, #tpu.memory_space<vmem>>, %arg9: memref<1000x1xf32, #tpu.memory_space<vmem>>) attributes {dimension_semantics = [#tpu.dimension_semantics<arbitrary>], iteration_bounds = array<i64: 10>, scalar_prefetch = 0 : i64, scratch_operands = 0 : i64, tpu.core_type = #tpu.core_type<tc>, window_params = [{transform_indices = @transform_0, window_bounds = array<i64: 2, 1000, 144>}, {pipeline_mode = #tpu.pipeline_mode<synchronous>, transform_indices = @transform_1, window_bounds = array<i64: 256, 32>}, {pipeline_mode = #tpu.pipeline_mode<synchronous>, transform_indices = @transform_2, window_bounds = array<i64: 4, 128>}, {pipeline_mode = #tpu.pipeline_mode<synchronous>, transform_indices = @transform_3, window_bounds = array<i64: 1, 256>}, {pipeline_mode = #tpu.pipeline_mode<synchronous>, transform_indices = @transform_4, window_bounds = array<i64: 32, 1>}, {pipeline_mode = #tpu.pipeline_mode<synchronous>, transform_indices = @transform_5, window_bounds = array<i64: 32, 1>}, {transform_indices = @transform_6, window_bounds = array<i64: 2, 1000, 32>}, {transform_indices = @transform_7, window_bounds = array<i64: 1000, 1>}, {transform_indices = @transform_8, window_bounds = array<i64: 1000, 1>}]} {
    %get3A = arith.constant 0 : index
    %get3A_0 = arith.constant 0 : index
    %get3A_1 = arith.constant 0 : index
    %get3A_2 = vector.load %arg1[%get3A, %get3A_0, %get3A_1] : memref<2x1000x144xf32, #tpu.memory_space<vmem>>, vector<1x1000x144xf32>
    %get3A_3 = vector.shape_cast %get3A_2 : vector<1x1000x144xf32> to vector<1000x144xf32>
    %get3A_4 = arith.constant 1 : index
    %get3A_5 = arith.constant 0 : index
    %get3A_6 = arith.constant 0 : index
    %get3A_7 = vector.load %arg1[%get3A_4, %get3A_5, %get3A_6] : memref<2x1000x144xf32, #tpu.memory_space<vmem>>, vector<1x1000x144xf32>
    %get3A_8 = vector.shape_cast %get3A_7 : vector<1x1000x144xf32> to vector<1000x144xf32>
    %slice3A = vector.extract_strided_slice %get3A_3 {offsets = [0, 128], sizes = [1000, 4], strides = [1, 1]} : vector<1000x144xf32> to vector<1000x4xf32>
    %get3A_9 = arith.constant 0 : index
    %get3A_10 = arith.constant 0 : index
    %get3A_11 = vector.load %arg3[%get3A_9, %get3A_10] : memref<4x128xf32, #tpu.memory_space<vmem>>, vector<4x128xf32>
    %dot_general3A = arith.constant dense<0.000000e+00> : vector<1000x128xf32>
    %dot_general3A_12 = tpu.matmul %slice3A, %get3A_11, %dot_general3A {dimension_numbers = #tpu.dot_dimension_numbers<[1], [0], [0], [1], [0, 0, 1, 1], [], []>, transpose_lhs_hint = false} : vector<1000x4xf32>, vector<4x128xf32>, vector<1000x128xf32> -> vector<1000x128xf32>
    %slice3A_13 = vector.extract_strided_slice %get3A_8 {offsets = [0, 128], sizes = [1000, 4], strides = [1, 1]} : vector<1000x144xf32> to vector<1000x4xf32>
    %get3A_14 = arith.constant 0 : index
    %get3A_15 = arith.constant 0 : index
    %get3A_16 = vector.load %arg3[%get3A_14, %get3A_15] : memref<4x128xf32, #tpu.memory_space<vmem>>, vector<4x128xf32>
    %dot_general3A_17 = arith.constant dense<0.000000e+00> : vector<1000x128xf32>
    %dot_general3A_18 = tpu.matmul %slice3A_13, %get3A_16, %dot_general3A_17 {dimension_numbers = #tpu.dot_dimension_numbers<[1], [0], [0], [1], [0, 0, 1, 1], [], []>, transpose_lhs_hint = false} : vector<1000x4xf32>, vector<4x128xf32>, vector<1000x128xf32> -> vector<1000x128xf32>
    %slice3A_19 = vector.extract_strided_slice %get3A_3 {offsets = [0, 0], sizes = [1000, 128], strides = [1, 1]} : vector<1000x144xf32> to vector<1000x128xf32>
    %add3A = arith.constant 1.000000e-16 : f32
    %add3A_20 = vector.broadcast %add3A : f32 to vector<1000x128xf32>
    %add3A_21 = arith.addf %dot_general3A_12, %add3A_20 : vector<1000x128xf32>
    %div3A = arith.divf %slice3A_19, %add3A_21 : vector<1000x128xf32>
    %slice3A_22 = vector.extract_strided_slice %get3A_8 {offsets = [0, 0], sizes = [1000, 128], strides = [1, 1]} : vector<1000x144xf32> to vector<1000x128xf32>
    %add3A_23 = arith.constant 1.000000e-16 : f32
    %add3A_24 = vector.broadcast %add3A_23 : f32 to vector<1000x128xf32>
    %add3A_25 = arith.addf %dot_general3A_18, %add3A_24 : vector<1000x128xf32>
    %div3A_26 = arith.divf %slice3A_22, %add3A_25 : vector<1000x128xf32>
    %concatenate3A = tpu.concatenate %div3A, %div3A_26 in 1 : vector<1000x128xf32>, vector<1000x128xf32> -> vector<1000x256xf32>
    %get3A_27 = arith.constant 0 : index
    %get3A_28 = arith.constant 0 : index
    %get3A_29 = vector.load %arg4[%get3A_27, %get3A_28] : memref<1x256xf32, #tpu.memory_space<vmem>>, vector<1x256xf32>
    %add3A_30 = vector.broadcast %get3A_29 : vector<1x256xf32> to vector<1000x256xf32>
    %add3A_31 = arith.addf %concatenate3A, %add3A_30 : vector<1000x256xf32>
    %max3A = arith.constant 0.000000e+00 : f32
    %max3A_32 = vector.broadcast %max3A : f32 to vector<1000x256xf32>
    %max3A_33 = arith.maximumf %add3A_31, %max3A_32 : vector<1000x256xf32>
    %get3A_34 = arith.constant 0 : index
    %get3A_35 = arith.constant 0 : index
    %get3A_36 = vector.load %arg2[%get3A_34, %get3A_35] : memref<256x32xf32, #tpu.memory_space<vmem>>, vector<256x32xf32>
    %dot_general3A_37 = arith.constant dense<0.000000e+00> : vector<1000x32xf32>
    %dot_general3A_38 = tpu.matmul %max3A_33, %get3A_36, %dot_general3A_37 {dimension_numbers = #tpu.dot_dimension_numbers<[1], [0], [0], [1], [0, 0, 1, 1], [], []>, transpose_lhs_hint = false} : vector<1000x256xf32>, vector<256x32xf32>, vector<1000x32xf32> -> vector<1000x32xf32>
    %broadcast_in_dim3A = arith.constant 1.000000e+00 : f32
    %broadcast_in_dim3A_39 = vector.broadcast %broadcast_in_dim3A : f32 to vector<1000x1xf32>
    %broadcast_in_dim3A_40 = arith.constant 0.000000e+00 : f32
    %broadcast_in_dim3A_41 = vector.broadcast %broadcast_in_dim3A_40 : f32 to vector<1000x15xf32>
    %slice3A_42 = vector.extract_strided_slice %dot_general3A_38 {offsets = [0, 0], sizes = [1000, 16], strides = [1, 1]} : vector<1000x32xf32> to vector<1000x16xf32>
    %concatenate3A_43 = tpu.concatenate %slice3A_42, %broadcast_in_dim3A_39, %broadcast_in_dim3A_41 in 1 : vector<1000x16xf32>, vector<1000x1xf32>, vector<1000x15xf32> -> vector<1000x32xf32>
    %swap3A = arith.constant 0 : index
    %swap3A_44 = arith.constant 0 : index
    %swap3A_45 = arith.constant 0 : index
    %swap3A_46 = vector.load %arg7[%swap3A, %swap3A_44, %swap3A_45] : memref<2x1000x32xf32, #tpu.memory_space<vmem>>, vector<1x1000x32xf32>
    %swap3A_47 = vector.shape_cast %swap3A_46 : vector<1x1000x32xf32> to vector<1000x32xf32>
    %swap3A_48 = vector.shape_cast %concatenate3A_43 : vector<1000x32xf32> to vector<1x1000x32xf32>
    tpu.vector_store %arg7[%swap3A, %swap3A_44, %swap3A_45], %swap3A_48 {strides = array<i32>} : memref<2x1000x32xf32, #tpu.memory_space<vmem>>, vector<1x1000x32xf32>,
    %slice3A_49 = vector.extract_strided_slice %dot_general3A_38 {offsets = [0, 16], sizes = [1000, 16], strides = [1, 1]} : vector<1000x32xf32> to vector<1000x16xf32>
    %concatenate3A_50 = tpu.concatenate %slice3A_49, %broadcast_in_dim3A_39, %broadcast_in_dim3A_41 in 1 : vector<1000x16xf32>, vector<1000x1xf32>, vector<1000x15xf32> -> vector<1000x32xf32>
    %swap3A_51 = arith.constant 1 : index
    %swap3A_52 = arith.constant 0 : index
    %swap3A_53 = arith.constant 0 : index
    %swap3A_54 = vector.load %arg7[%swap3A_51, %swap3A_52, %swap3A_53] : memref<2x1000x32xf32, #tpu.memory_space<vmem>>, vector<1x1000x32xf32>
    %swap3A_55 = vector.shape_cast %swap3A_54 : vector<1x1000x32xf32> to vector<1000x32xf32>
    %swap3A_56 = vector.shape_cast %concatenate3A_50 : vector<1000x32xf32> to vector<1x1000x32xf32>
    tpu.vector_store %arg7[%swap3A_51, %swap3A_52, %swap3A_53], %swap3A_56 {strides = array<i32>} : memref<2x1000x32xf32, #tpu.memory_space<vmem>>, vector<1x1000x32xf32>,
    %get3A_57 = arith.constant 0 : index
    %get3A_58 = arith.constant 0 : index
    %get3A_59 = vector.load %arg5[%get3A_57, %get3A_58] : memref<32x1xf32, #tpu.memory_space<vmem>>, vector<32x1xf32>
    %dot_general3A_60 = arith.constant dense<0.000000e+00> : vector<1000x1xf32>
    %dot_general3A_61 = tpu.matmul %dot_general3A_38, %get3A_59, %dot_general3A_60 {dimension_numbers = #tpu.dot_dimension_numbers<[1], [0], [0], [1], [0, 0, 1, 1], [], []>, transpose_lhs_hint = false} : vector<1000x32xf32>, vector<32x1xf32>, vector<1000x1xf32> -> vector<1000x1xf32>
    %swap3A_62 = arith.constant 0 : index
    %swap3A_63 = arith.constant 0 : index
    %swap3A_64 = vector.load %arg8[%swap3A_62, %swap3A_63] : memref<1000x1xf32, #tpu.memory_space<vmem>>, vector<1000x1xf32>
    tpu.vector_store %arg8[%swap3A_62, %swap3A_63], %dot_general3A_61 {strides = array<i32>} : memref<1000x1xf32, #tpu.memory_space<vmem>>, vector<1000x1xf32>,
    %get3A_65 = arith.constant 0 : index
    %get3A_66 = arith.constant 0 : index
    %get3A_67 = vector.load %arg6[%get3A_65, %get3A_66] : memref<32x1xf32, #tpu.memory_space<vmem>>, vector<32x1xf32>
    %dot_general3A_68 = arith.constant dense<0.000000e+00> : vector<1000x1xf32>
    %dot_general3A_69 = tpu.matmul %dot_general3A_38, %get3A_67, %dot_general3A_68 {dimension_numbers = #tpu.dot_dimension_numbers<[1], [0], [0], [1], [0, 0, 1, 1], [], []>, transpose_lhs_hint = false} : vector<1000x32xf32>, vector<32x1xf32>, vector<1000x1xf32> -> vector<1000x1xf32>
    %swap3A_70 = arith.constant 0 : index
    %swap3A_71 = arith.constant 0 : index
    %swap3A_72 = vector.load %arg9[%swap3A_70, %swap3A_71] : memref<1000x1xf32, #tpu.memory_space<vmem>>, vector<1000x1xf32>
    tpu.vector_store %arg9[%swap3A_70, %swap3A_71], %dot_general3A_69 {strides = array<i32>} : memref<1000x1xf32, #tpu.memory_space<vmem>>, vector<1000x1xf32>,
    return
  }
  func.func @transform_0(%arg0: i32) -> (i32, i32, i32) {
    %c0_i32 = arith.constant 0 : i32
    %c0_i32_0 = arith.constant 0 : i32
    %c0_i32_1 = arith.constant 0 : i32
    return %c0_i32, %arg0, %c0_i32_0 : i32, i32, i32
  }
  func.func @transform_1(%arg0: i32) -> (i32, i32) {
    %c0_i32 = arith.constant 0 : i32
    %c0_i32_0 = arith.constant 0 : i32
    %c0_i32_1 = arith.constant 0 : i32
    return %c0_i32, %c0_i32_0 : i32, i32
  }
  func.func @transform_2(%arg0: i32) -> (i32, i32) {
    %c0_i32 = arith.constant 0 : i32
    %c0_i32_0 = arith.constant 0 : i32
    %c0_i32_1 = arith.constant 0 : i32
    return %c0_i32, %c0_i32_0 : i32, i32
  }
  func.func @transform_3(%arg0: i32) -> (i32, i32) {
    %c0_i32 = arith.constant 0 : i32
    %c0_i32_0 = arith.constant 0 : i32
    %c0_i32_1 = arith.constant 0 : i32
    return %c0_i32, %c0_i32_0 : i32, i32
  }
  func.func @transform_4(%arg0: i32) -> (i32, i32) {
    %c0_i32 = arith.constant 0 : i32
    %c0_i32_0 = arith.constant 0 : i32
    %c0_i32_1 = arith.constant 0 : i32
    return %c0_i32, %c0_i32_0 : i32, i32
  }
  func.func @transform_5(%arg0: i32) -> (i32, i32) {
    %c0_i32 = arith.constant 0 : i32
    %c0_i32_0 = arith.constant 0 : i32
    %c0_i32_1 = arith.constant 0 : i32
    return %c0_i32, %c0_i32_0 : i32, i32
  }
  func.func @transform_6(%arg0: i32) -> (i32, i32, i32) {
    %c0_i32 = arith.constant 0 : i32
    %c0_i32_0 = arith.constant 0 : i32
    %c0_i32_1 = arith.constant 0 : i32
    return %c0_i32, %arg0, %c0_i32_0 : i32, i32, i32
  }
  func.func @transform_7(%arg0: i32) -> (i32, i32) {
    %c0_i32 = arith.constant 0 : i32
    %c0_i32_0 = arith.constant 0 : i32
    return %arg0, %c0_i32 : i32, i32
  }
  func.func @transform_8(%arg0: i32) -> (i32, i32) {
    %c0_i32 = arith.constant 0 : i32
    %c0_i32_0 = arith.constant 0 : i32
    return %arg0, %c0_i32 : i32, i32
  }
}

module attributes {stable_mosaic.version = 14 : i64} {
  func.func @_k5_body(%arg0: i32, %arg1: memref<2x1000x32xf32, #tpu.memory_space<vmem>>, %arg2: memref<1x32xf32, #tpu.memory_space<vmem>>, %arg3: memref<1000x32xf32, #tpu.memory_space<vmem>>) attributes {dimension_semantics = [#tpu.dimension_semantics<arbitrary>], iteration_bounds = array<i64: 10>, scalar_prefetch = 0 : i64, scratch_operands = 0 : i64, tpu.core_type = #tpu.core_type<tc>, window_params = [{transform_indices = @transform_0, window_bounds = array<i64: 2, 1000, 32>}, {pipeline_mode = #tpu.pipeline_mode<synchronous>, transform_indices = @transform_1, window_bounds = array<i64: 1, 32>}, {transform_indices = @transform_2, window_bounds = array<i64: 1000, 32>}]} {
    %get3A = arith.constant 0 : index
    %get3A_0 = arith.constant 0 : index
    %get3A_1 = arith.constant 0 : index
    %get3A_2 = vector.load %arg1[%get3A, %get3A_0, %get3A_1] : memref<2x1000x32xf32, #tpu.memory_space<vmem>>, vector<1x1000x32xf32>
    %get3A_3 = vector.shape_cast %get3A_2 : vector<1x1000x32xf32> to vector<1000x32xf32>
    %get3A_4 = arith.constant 1 : index
    %get3A_5 = arith.constant 0 : index
    %get3A_6 = arith.constant 0 : index
    %get3A_7 = vector.load %arg1[%get3A_4, %get3A_5, %get3A_6] : memref<2x1000x32xf32, #tpu.memory_space<vmem>>, vector<1x1000x32xf32>
    %get3A_8 = vector.shape_cast %get3A_7 : vector<1x1000x32xf32> to vector<1000x32xf32>
    %slice3A = vector.extract_strided_slice %get3A_3 {offsets = [0, 16], sizes = [1000, 1], strides = [1, 1]} : vector<1000x32xf32> to vector<1000x1xf32>
    %slice3A_9 = vector.extract_strided_slice %get3A_8 {offsets = [0, 16], sizes = [1000, 1], strides = [1, 1]} : vector<1000x32xf32> to vector<1000x1xf32>
    %slice3A_10 = vector.extract_strided_slice %get3A_3 {offsets = [0, 0], sizes = [1000, 16], strides = [1, 1]} : vector<1000x32xf32> to vector<1000x16xf32>
    %add3A = arith.constant 1.000000e-16 : f32
    %add3A_11 = vector.broadcast %add3A : f32 to vector<1000x1xf32>
    %add3A_12 = arith.addf %slice3A, %add3A_11 : vector<1000x1xf32>
    %div3A = vector.broadcast %add3A_12 : vector<1000x1xf32> to vector<1000x16xf32>
    %div3A_13 = arith.divf %slice3A_10, %div3A : vector<1000x16xf32>
    %slice3A_14 = vector.extract_strided_slice %get3A_8 {offsets = [0, 0], sizes = [1000, 16], strides = [1, 1]} : vector<1000x32xf32> to vector<1000x16xf32>
    %add3A_15 = arith.constant 1.000000e-16 : f32
    %add3A_16 = vector.broadcast %add3A_15 : f32 to vector<1000x1xf32>
    %add3A_17 = arith.addf %slice3A_9, %add3A_16 : vector<1000x1xf32>
    %div3A_18 = vector.broadcast %add3A_17 : vector<1000x1xf32> to vector<1000x16xf32>
    %div3A_19 = arith.divf %slice3A_14, %div3A_18 : vector<1000x16xf32>
    %concatenate3A = tpu.concatenate %div3A_13, %div3A_19 in 1 : vector<1000x16xf32>, vector<1000x16xf32> -> vector<1000x32xf32>
    %get3A_20 = arith.constant 0 : index
    %get3A_21 = arith.constant 0 : index
    %get3A_22 = vector.load %arg2[%get3A_20, %get3A_21] : memref<1x32xf32, #tpu.memory_space<vmem>>, vector<1x32xf32>
    %add3A_23 = vector.broadcast %get3A_22 : vector<1x32xf32> to vector<1000x32xf32>
    %add3A_24 = arith.addf %concatenate3A, %add3A_23 : vector<1000x32xf32>
    %swap3A = arith.constant 0 : index
    %swap3A_25 = arith.constant 0 : index
    %swap3A_26 = vector.load %arg3[%swap3A, %swap3A_25] : memref<1000x32xf32, #tpu.memory_space<vmem>>, vector<1000x32xf32>
    tpu.vector_store %arg3[%swap3A, %swap3A_25], %add3A_24 {strides = array<i32>} : memref<1000x32xf32, #tpu.memory_space<vmem>>, vector<1000x32xf32>,
    return
  }
  func.func @transform_0(%arg0: i32) -> (i32, i32, i32) {
    %c0_i32 = arith.constant 0 : i32
    %c0_i32_0 = arith.constant 0 : i32
    %c0_i32_1 = arith.constant 0 : i32
    return %c0_i32, %arg0, %c0_i32_0 : i32, i32, i32
  }
  func.func @transform_1(%arg0: i32) -> (i32, i32) {
    %c0_i32 = arith.constant 0 : i32
    %c0_i32_0 = arith.constant 0 : i32
    %c0_i32_1 = arith.constant 0 : i32
    return %c0_i32, %c0_i32_0 : i32, i32
  }
  func.func @transform_2(%arg0: i32) -> (i32, i32) {
    %c0_i32 = arith.constant 0 : i32
    %c0_i32_0 = arith.constant 0 : i32
    return %arg0, %c0_i32 : i32, i32
  }
}

</mosaic_0001>

<sc_bundles>
// kernel: kernel.11.cloned.1.call-start
scs
__scs_entry_jumppad:
0x0: {  	(pc) =	sbr.rel $0x88, $3  }
0x1: {  	(tag) =	ssettag $0x0;
	lr =	simm.s32 $0x1  }
0x2: {  	[smem:$0x3F90] =	sst lr;
	_ =	strace $0xD0000000  }
0x3: {  	_ = 	snop  }
0x4: {  	_ = 	snop  }
0x5: {  	_ = 	snop  }
0x6: {  	_ = 	snop  }
0x7: {  	_ = 	snop  }
__scs_overlays_trampoline_lowered:
0x8: {  	[smem:$0x3F9F] =	sst s0  }
0x9: {  	[smem:$0x3FA0] =	sst s1  }
0xa: {  	[smem:$0x3FA1] =	sst s2  }
0xb: {  	[smem:$0x3FA2] =	sst s3  }
0xc: {  	[smem:$0x3FA3] =	sst s4  }
0xd: {  	[smem:$0x3FA4] =	sst s5  }
0xe: {  	[smem:$0x3FA5] =	sst s6  }
0xf: {  	[smem:$0x3FA6] =	sst s7  }
0x10: {  	[smem:$0x3FA7] =	sst s8  }
0x11: {  	[smem:$0x3FA8] =	sst s9;
	s0 =	simm.s32 @!p0 $0x0  }
0x12: {  	s1 =	sld [smem:$0x3F8E];
	s0 =	simm.s32 @p0 $0x1  }
0x13: {  	[smem:$0x3FA9] =	sst s0;
	s0 =	simm.s32 @!p1 $0x0  }
0x14: {  	s2 =	sld [smem:$0x3F8D];
	s0 =	simm.s32 @p1 $0x1  }
0x15: {  	[smem:$0x3FAA] =	sst s0;
	s0 =	simm.s32 @!p2 $0x0  }
0x16: {  	s3 =	sld [smem:$0x3FDB];
	s0 =	simm.s32 @p2 $0x1  }
0x17: {  	s4 =	simm.s32 $0x1BF5;
	[smem:$0x3FAC] =	sst s0  }
0x18: {  	s0 =	sld [smem:$0x3F8F];
	_ =	swait.ge [sflag:s4], $0x0  }
0x19: {  	s7 =	sld [smem:$0x3F90]  }
0x1a: {  	s8 =	sadd.s32 $0xFFFFE003, lr  }
0x1b: {  	s9 =	sadd.s32 $0xFFFFFEF7, lr;
	s5 =	simm.s32 $0xFFFFFFFF;
	p2 =	slt.u32 s8, $0xFFFFF086  }
0x1c: {  	p1 =	slt.u32 s9, $0xF7A;
	s5 =	simm.s32 @!p2 $0x0  }
0x1d: {  	s5 =	simm.s32 @p1 $0x1;
	p0 =	seq.s32 s7, s2  }
0x1e: {  	s7 =	smul.u32 @!p0 $0xF7A, s2;
	p2 =	seq.s32 @!p0 s5, $0x0  }
0x1f: {  	s9 =	smul.u32 $0xF7A, s1;
	s8 =	simm.s32 @!p0 $0x1BF5;
	p2 =	por !p2, p0  }
0x20: {  	[sflag:s8] =	ssyncset.s32 @!p0 $0xFFFFF086;
	s6 =	sadd.s32 @!p0 s3, s7;
	s7 =	simm.s32 @!p0 $0x108  }
0x21: {  	s3 =	sadd.s32 s3, s9;
	s6 =	sadd.s32 @!p0 $0x88, s6;
	s7 =	simm.s32 @p2 $0x1082  }
0x22: {  	[simem:s7], [sflag:s8] =	dma.local @!p0 [hbm:s6], $0xF7A  }
0x23: {  	s9 =	sor.u32 $0xD0000000, s2;
	s6 =	simm.s32 $0x108;
	_ =	swait.ge @!p0 [sflag:s8], $0x0  }
0x24: {  	s3 =	sadd.s32 $0x88, s3;
	s6 =	simm.s32 @!p1 $0x1082;
	[sflag:s4] =	ssyncset.s32 $0xFFFFF086  }
0x25: {  	[simem:s6], [sflag:s4] =	dma.local [hbm:s3], $0xF7A  }
0x26: {  	[smem:$0x3F90] =	sst s1;
	(tag) =	ssettag s2;
	_ =	strace s9  }
0x27: {  	s1 =	sld [smem:$0x3FA0]  }
0x28: {  	s2 =	sld [smem:$0x3FA1]  }
0x29: {  	s4 =	sld [smem:$0x3FA3]  }
0x2a: {  	p0 =	seq.s32 s5, $0x0;
	s5 =	sld [smem:$0x3FA4]  }
0x2b: {  	s6 =	sld [smem:$0x3FA5]  }
0x2c: {  	s7 =	sld [smem:$0x3FA6]  }
0x2d: {  	s3 =	simm.s32 $0x108;
	s8 =	sld [smem:$0x3FA7]  }
0x2e: {  	s3 =	simm.s32 @!p0 $0x1082;
	s9 =	sld [smem:$0x3FA8]  }
0x2f: {  	lr =	sadd.s32 s0, s3;
	s0 =	sld [smem:$0x3F9F]  }
0x30: {  	s3 =	sld [smem:$0x3FA2]  }
0x31: {  	[smem:$0x3FAB] =	sst s10  }
0x32: {  	s10 =	sld [smem:$0x3FA9];
	_ =	sdelay $0x3  }
0x33: {  	p0 =	seq.s32 s10, $0x1;
	s10 =	sld [smem:$0x3FAB];
	_ =	sdelay $0x3  }
0x34: {  	[smem:$0x3FAB] =	sst s10  }
0x35: {  	s10 =	sld [smem:$0x3FAA];
	_ =	sdelay $0x3  }
0x36: {  	p1 =	seq.s32 s10, $0x1;
	s10 =	sld [smem:$0x3FAB];
	_ =	sdelay $0x3  }
0x37: {  	[smem:$0x3FAB] =	sst s10  }
0x38: {  	s10 =	sld [smem:$0x3FAC]  }
0x39: {  	_ = 	snop;
	(pc) =	sbr.ind lr, $3  }
0x3a: {  	_ = 	snop  }
0x3b: {  	_ = 	snop  }
0x3c: {  	p2 =	seq.s32 s10, $0x1;
	s10 =	sld [smem:$0x3FAB]  }
0x3d: {  	_ =	shalt  }
0x3e: {  	_ =	shalt  }
0x3f: {  	_ =	shalt  }
0x40: {  	_ =	shalt  }
0x41: {  	_ =	shalt  }
0x42: {  	_ =	shalt  }
0x43: {  	_ =	shalt  }
0x44: {  	_ =	shalt  }
0x45: {  	_ =	shalt  }
0x46: {  	_ =	shalt  }
0x47: {  	_ =	shalt  }
0x48: {  	_ =	shalt  }
0x49: {  	_ =	shalt  }
0x4a: {  	_ =	shalt  }
0x4b: {  	_ =	shalt  }
0x4c: {  	_ =	shalt  }
0x4d: {  	_ =	shalt  }
0x4e: {  	_ =	shalt  }
0x4f: {  	_ =	shalt  }
0x50: {  	_ =	shalt  }
0x51: {  	_ =	shalt  }
0x52: {  	_ =	shalt  }
0x53: {  	_ =	shalt  }
0x54: {  	_ =	shalt  }
0x55: {  	_ =	shalt  }
0x56: {  	_ =	shalt  }
0x57: {  	_ =	shalt  }
0x58: {  	_ =	shalt  }
0x59: {  	_ =	shalt  }
0x5a: {  	_ =	shalt  }
0x5b: {  	_ =	shalt  }
0x5c: {  	_ =	shalt  }
0x5d: {  	_ =	shalt  }
0x5e: {  	_ =	shalt  }
0x5f: {  	_ =	shalt  }
0x60: {  	_ =	shalt  }
0x61: {  	_ =	shalt  }
0x62: {  	_ =	shalt  }
0x63: {  	_ =	shalt  }
0x64: {  	_ =	shalt  }
0x65: {  	_ =	shalt  }
0x66: {  	_ =	shalt  }
0x67: {  	_ =	shalt  }
0x68: {  	_ =	shalt  }
0x69: {  	_ =	shalt  }
0x6a: {  	_ =	shalt  }
0x6b: {  	_ =	shalt  }
0x6c: {  	_ =	shalt  }
0x6d: {  	_ =	shalt  }
0x6e: {  	_ =	shalt  }
0x6f: {  	_ =	shalt  }
0x70: {  	_ =	shalt  }
0x71: {  	_ =	shalt  }
0x72: {  	_ =	shalt  }
0x73: {  	_ =	shalt  }
0x74: {  	_ =	shalt  }
0x75: {  	_ =	shalt  }
0x76: {  	_ =	shalt  }
0x77: {  	_ =	shalt  }
0x78: {  	_ =	shalt  }
0x79: {  	_ =	shalt  }
0x7a: {  	_ =	shalt  }
0x7b: {  	_ =	shalt  }
0x7c: {  	_ =	shalt  }
0x7d: {  	_ =	shalt  }
0x7e: {  	_ =	shalt  }
0x7f: {  	_ =	shalt  }
0x80: {  	_ =	shalt  }
0x81: {  	_ =	shalt  }
0x82: {  	_ =	shalt  }
0x83: {  	_ =	shalt  }
0x84: {  	_ =	shalt  }
0x85: {  	_ =	shalt  }
0x86: {  	_ =	shalt  }
0x87: {  	_ =	shalt  }
.Lfunc_end0:
.L_simem_size_0:
called_computation.1_lowered:
.L_overlay_start_0:
0x88: {  	s2 =	sld [smem:$0x3FD9]  }
0x89: {  	s3 =	sld [smem:$0x3FFE];
	_ =	sdelay $0x1  }
0x8a: {  	s1 =	srdreg.scid  }
0x8b: {  	s0 =	sand.u32 $0x1, s1  }
0x8c: {  	s17 =	sshll.u32 s0, $0xA;
	s2 =	sadd.s32 s3, s2  }
0x8d: {  	s2 =	sadd.s32 s2, s17  }
0x8e: {  	[smem:$0x3FB7] =	sst s2  }
0x8f: {  	_ = 	snop  }
0x90: {  	s2 =	sld [smem:$0x3FD0];
	(tm) =	ssettm $0x1  }
0x91: {  	s18 =	sld [smem:$0x3FFB];
	_ =	sdelay $0x3  }
0x92: {  	_ =	strace s18  }
0x93: {  	s3 =	sld [smem:$0x3FFC];
	_ =	sdelay $0x3  }
0x94: {  	_ =	strace s3  }
0x95: {  	s3 =	sld [smem:$0x3FFD];
	_ =	sdelay $0x3  }
0x96: {  	_ =	strace s3  }
0x97: {  	_ =	strace $0x8FFFFFFF  }
0x98: {  	s19 =	sld [smem:$0x3FDB];
	_ =	sdelay $0x1  }
0x99: {  	s4 =	simm.s32 $_scs_section_size  }
0x9a: {  	s5 =	simm.s32 $_size__tile_overlayer_lowered;
	s6 =	simm.s32 $_tile_overlayer_lowered  }
0x9b: {  	s22 =	simm.s32 $0x1BFF;
	s21 =	sshll.u32 s6, $0x1;
	s3 =	sadd.s32 s4, s19  }
0x9c: {  	s7 =	simm.s32 $0x0;
	s20 =	sshll.u32 s5, $0x1;
	s5 =	sadd.s32 s21, s3  }
0x9d: {  	[timem:s7], [sflag:s22] =	dma.local [hbm:s5], s20  }
0x9e: {  	_ =	swait.ge [sflag:s22], s20  }
0x9f: {  	s4 =	ssub.s32 $0x0, s20;
	[sflag:s22] =	ssyncset.done $0x0  }
0xa0: {  	[sflag:s22] =	ssyncadd.s32 s4;
	_ =	sdelay $0x1  }
0xa1: {  	s23 =	simm.s32 $0x1B8B  }
0xa2: {  	_ =	swait.ge [sflag:s23], $0x1  }
0xa3: {  	[sflag:s23] =	ssyncset.done $0x0  }
0xa4: {  	s25 =	simm.s32 $0x1B8E;
	s24 =	sld [smem:$0x3FFE];
	[sflag:s23] =	ssyncadd.s32 $0xFFFFFFFF  }
0xa5: {  	s26 =	simm.s32 $execute0_lowered;
	[smem:$0x3FD2] =	sst s25  }
0xa6: {  	s5 =	sshll.u32 s26, $0x1;
	_ =	strace $0x80000049;
	[dreg:$0x1] =	wrdreg $0xFFFFFFFF  }
0xa7: {  	s28 =	simm.s32 $_size_execute0_lowered;
	s3 =	sadd.s32 s3, s5;
	[dreg:$0x0] =	wrdreg $0x0  }
0xa8: {  	s5 =	sshll.u32 s28, $0x1;
	[dreg:$0x2] =	wrdreg s3  }
0xa9: {  	[dreg:$0x3] =	wrdreg s5  }
0xaa: {  	[dreg:$0x4] =	wrdreg $0xC0  }
0xab: {  	_ =	task [dreg:s7], $0x5FFFF  }
0xac: {  	[dreg:$0x1] =	wrdreg $0xFFFFFFFF  }
0xad: {  	[dreg:$0x0] =	wrdreg $0x60  }
0xae: {  	[dreg:$0x2] =	wrdreg s24  }
0xaf: {  	[dreg:$0x3] =	wrdreg s2  }
0xb0: {  	[dreg:$0x4] =	wrdreg $0x61100  }
0xb1: {  	[dreg:$0x5] =	wrdreg $0x9  }
0xb2: {  	_ =	task.clear_ibuf [dreg:s7], $0x6FFFF;
	_ =	strace $0x90000049  }
0xb3: {  	s29 =	simm.s32 $0x9;
	_ =	strace $0x8000004B  }
0xb4: {  	_ =	swait.ge [sflag:s29], $0x1  }
0xb5: {  	[sflag:s29] =	ssyncadd.s32 $0xFFFFFFFF  }
0xb6: {  	_ =	strace $0x9000004B  }
0xb7: {  	_ =	sfence  }
0xb8: {  	s30 =	sld [smem:$0x0];
	_ =	sdelay $0x2  }
0xb9: {  	s31 =	sshll.u32 s1, $0xD;
	s1 =	sshrl.u32 s1, $0x2  }
0xba: {  	s3 =	sand.u32 $0x4000, s31;
	s1 =	sadd.s32 s1, s30  }
0xbb: {  	s0 =	sor.u32 s3, s0;
	s1 =	sshll.u32 s1, $0x11  }
0xbc: {  	s0 =	sor.u32 s1, s0  }
0xbd: {  	s0 =	sadd.s32 $0x8F2B, s0  }
0xbe: {  	[sflag:s0] =	ssyncadd.remote.s32 $0x1  }
0xbf: {  	_ =	sfence.sel $0xFFFF  }
0xc0: {  	[dreg:$0x0] =	wrdreg $0xFFFFFFFF;
	(pc) =	sbr.abs _section_cstart, $3  }
0xc1: {  	[dreg:$0x1] =	wrdreg $0xFFFFFFFF  }
0xc2: {  	_ =	task.clear_ibuf [dreg:s7], $0x2FFFF;
	_ =	strace $0x9FFFFFFF  }
0xc3: {  	(tm) =	ssettm $0x7FFFFFFF  }
tec
execute0_lowered:
.L_overlay_start_1:
0x0: {  	(tag) =	ssettag $0x1  }
0x1: {  	s10 =	rddreg [dreg:$0x0]  }
0x2: {  	s3 =	rddreg [dreg:$0x2]  }
0x3: {  	s0 =	simm.s32 $0x0;
	s21 =	srdreg.scid;
	s15 =	stileid.u32  }
0x4: {  	s28 =	simm.s32 $0x5010;
	s29 =	simm.s32 $0x80;
	s31 =	simm.s32 $0x5090  }
0x5: {  	[smem:$0x7FF] =	sst s0;
	s6 =	sadd.s32 $0xF200, s10;
	s2 =	smul.u32 $0x280, s15  }
0x6: {  	s7 =	sadd.s32 $0x5000, s10;
	s0 =	sand.u32 $0x1, s21;
	s5 =	smul.u32 $0x14000, s15  }
0x7: {  	s8 =	sadd.s32 $0xC4400, s10;
	s9 =	sadd.s32 $0x19400, s10;
	s15 =	smul.u32 $0x5100, s15  }
0x8: {  	s16 =	sadd.s32 $0x2CE00, s10;
	s1 =	ssub.s32 $0x2, s0;
	s30 =	smul.u32 $0x2710, s0  }
0x9: {  	_ =	strace $0x8000004A;
	s0 =	smul.u32 $0x2800, s0;
	s4 =	sshrl.u32 s1, $0x1  }
0xa: {  	s22 =	sadd.s32 $0x80, s2;
	s5 =	sshrl.u32 s5, $0x2;
	s23 =	sadd.s32 $0x100, s2  }
0xb: {  	s18 =	sadd.s32 $0x180, s2;
	s19 =	sadd.s32 $0x200, s2;
	s1 =	ssub.s32 s1, s4  }
0xc: {  	s11 =	sshll.u32 s22, $0x5;
	s10 =	sadd.s32 s5, s3;
	s12 =	sshll.u32 s23, $0x5  }
0xd: {  	s13 =	sshll.u32 s18, $0x5;
	s14 =	sshll.u32 s19, $0x5;
	s2 =	sadd.s32 s2, s0  }
0xe: {  	s4 =	sadd.s32 s0, s22;
	s25 =	sadd.s32 s0, s23;
	s26 =	sadd.s32 s0, s18  }
0xf: {  	s0 =	sadd.s32 s0, s19;
	s22 =	simm.s32 $0x2;
	s23 =	simm.s32 $0x2710  }
0x10: {  	v0 =	vmov s30;
	s30 =	simm.s32 $0x1;
	s11 =	sadd.s32 s11, s3;
	s12 =	sadd.s32 s12, s3  }
0x11: {  	s13 =	sadd.s32 s13, s3;
	s14 =	sadd.s32 s14, s3;
	s2 =	sshll.u32 s2, $0x2  }
0x12: {  	s24 =	sshll.u32 s4, $0x2;
	s4 =	sshll.u32 s26, $0x2;
	s0 =	sshll.u32 s0, $0x2  }
0x13: {  	s21 =	smax.u32 s1, $0x1;
	s26 =	simm.s32 $0x4F90;
	s2 =	sadd.s32 s16, s2  }
0x14: {  	s17 =	sadd.s32 s16, s24;
	s19 =	sadd.s32 s16, s4;
	s20 =	sadd.s32 s16, s0  }
0x15: {  	s24 =	simm.s32 $0x5110;
	[dreg:$0x4] =	wrdreg s2;
	s2 =	sshll.u32 s25, $0x2  }
0x16: {  	v1 =	vimm.f32 $0.0e+00;
	s0 =	simm.s32 $0x0;
	s25 =	simm.s32 $0x4F10;
	s18 =	sadd.s32 s16, s2  }
.LBB2_1:
0x17: {  	s1 =	rddreg [dreg:$0x1];
	s2 =	simm.s32 $0x0  }
0x18: {  	[tilespmem:s2], [sflag:$0x2] =	stream.linear.gather [hbm4b:s1+s2], $0x2710, $0x38;
	[tilespmem:$0xB110] =	vst v63  }
0x19: {  	_ =	swait.ge [sflag:s22], $0x2710  }
0x1a: {  	[sflag:s22] =	ssyncset.done $0x0  }
0x1b: {  	[sflag:s22] =	ssyncadd.s32 $0xFFFFD8F0  }
0x1c: {  	s16 =	rddreg [dreg:$0x0]  }
0x1d: {  	[tilespmem:s23], [sflag:$0x2] =	stream.linear.gather [hbm4b:s16+s2], $0x2800, $0x38;
	[tilespmem:$0xB110] =	vst v63  }
0x1e: {  	_ =	swait.ge [sflag:s22], $0x2800  }
0x1f: {  	[sflag:s22] =	ssyncset.done $0x0  }
0x20: {  	[sflag:s22] =	ssyncadd.s32 $0xFFFFD800  }
0x21: {  	s1 =	simm.s32 $0x1;
	s2 =	simm.s32 $0x5110;
	[tilespmem:s24+$0x0] =	vst v1  }
.LBB2_2:
0x22: {  	p0 =	sne.s32 s1, $0xFF  }
.Ltmp0:
0x23: {  	_ = 	snop;
	(pc) =	sbr.rel @p0 .LBB2_2-.Ltmp0, $3  }
0x24: {  	_ =	sdelay $0x1  }
0x25: {  	s1 =	sadd.s32 $0x1, s1;
	s2 =	sadd.s32 $0x10, s2  }
0x26: {  	[tilespmem:s2+$0x0] =	vst v1  }
0x27: {  	[spmem:s10] =	stream.linear.scatter [tilespmem:s24], [sflag:$0x2], $0x1000, $0x38;
	[tilespmem:$0xB110] =	vst v63  }
0x28: {  	_ =	swait.ge [sflag:s22], $0x1000  }
0x29: {  	[sflag:s22] =	ssyncset.done $0x0  }
0x2a: {  	[sflag:s22] =	ssyncadd.s32 $0xFFFFF000  }
0x2b: {  	[spmem:s11] =	stream.linear.scatter [tilespmem:s24], [sflag:$0x2], $0x1000, $0x38;
	[tilespmem:$0xB110] =	vst v63  }
0x2c: {  	_ =	swait.ge [sflag:s22], $0x1000  }
0x2d: {  	[sflag:s22] =	ssyncset.done $0x0  }
0x2e: {  	[sflag:s22] =	ssyncadd.s32 $0xFFFFF000  }
0x2f: {  	[spmem:s12] =	stream.linear.scatter [tilespmem:s24], [sflag:$0x2], $0x1000, $0x38;
	[tilespmem:$0xB110] =	vst v63  }
0x30: {  	_ =	swait.ge [sflag:s22], $0x1000  }
0x31: {  	[sflag:s22] =	ssyncset.done $0x0  }
0x32: {  	[sflag:s22] =	ssyncadd.s32 $0xFFFFF000  }
0x33: {  	[spmem:s13] =	stream.linear.scatter [tilespmem:s24], [sflag:$0x2], $0x1000, $0x38;
	[tilespmem:$0xB110] =	vst v63  }
0x34: {  	_ =	swait.ge [sflag:s22], $0x1000  }
0x35: {  	[sflag:s22] =	ssyncset.done $0x0  }
0x36: {  	[sflag:s22] =	ssyncadd.s32 $0xFFFFF000  }
0x37: {  	[spmem:s14] =	stream.linear.scatter [tilespmem:s24], [sflag:$0x2], $0x1000, $0x38;
	[tilespmem:$0xB110] =	vst v63  }
0x38: {  	_ =	swait.ge [sflag:s22], $0x1000  }
0x39: {  	[sflag:s22] =	ssyncset.done $0x0  }
0x3a: {  	[sflag:s22] =	ssyncadd.s32 $0xFFFFF000  }
0x3b: {  	s2 =	simm.s32 $0x0;
	s5 =	simm.s32 $0x0;
	[bflag:$0x0] =	sbarrier.arrive $0xFFFF  }
.LBB2_4:
0x3c: {  	s1 =	sshll.u32 s5, $0x7  }
0x3d: {  	s1 =	sadd.s32 s15, s1  }
0x3e: {  	s1 =	sshrl.u32 s1, $0x3  }
0x3f: {  	s4 =	sadd.s32 s6, s1  }
0x40: {  	[tilespmem:s25], [sflag:$0x2] =	stream.linear.gather [hbm4b:s4+s2], $0x80, $0x38;
	[tilespmem:$0xB110] =	vst v63  }
0x41: {  	_ =	swait.ge [sflag:s22], $0x80  }
0x42: {  	[sflag:s22] =	ssyncset.done $0x0  }
0x43: {  	s16 =	sadd.s32 s7, s1;
	[sflag:s22] =	ssyncadd.s32 $0xFFFFFF80  }
0x44: {  	[tilespmem:s26], [sflag:$0x2] =	stream.linear.gather [hbm4b:s16+s2], $0x80, $0x38;
	[tilespmem:$0xB110] =	vst v63  }
0x45: {  	_ =	swait.ge [sflag:s22], $0x80  }
0x46: {  	[sflag:s22] =	ssyncset.done $0x0  }
0x47: {  	s1 =	sadd.s32 s8, s1;
	[sflag:s22] =	ssyncadd.s32 $0xFFFFFF80  }
0x48: {  	[tilespmem:s28], [sflag:$0x2] =	stream.linear.gather [hbm4b:s1+s2], $0x80, $0x38;
	[tilespmem:$0xB110] =	vst v63  }
0x49: {  	_ =	swait.ge [sflag:s22], $0x80  }
0x4a: {  	[sflag:s22] =	ssyncset.done $0x0  }
0x4b: {  	[sflag:s22] =	ssyncadd.s32 $0xFFFFFF80  }
0x4c: {  	v2 =	vld [tilespmem:$0x4F10]  }
0x4d: {  	v3 =	vld [tilespmem:$0x4F90];
	_ =	sdelay $0x6  }
0x4e: {  	v4 =	vld.idx.msk [tilespmem:v2+s2+$0x0], $0xffff  }
0x4f: {  	v3 =	vld.idx.msk [tilespmem:v3+s23+$0x0], $0xffff;
	_ =	sdelay $0x1  }
0x50: {  	v5 =	vld [tilespmem:$0x5010];
	_ =	sdelay $0x2  }
0x51: {  	v3 =	vadd.f32 v3, v4;
	_ =	sdelay $0x1  }
0x52: {  	v3 =	vadd.f32 v5, v3;
	_ =	sdelay $0x1  }
0x53: {  	v4 =	vmul.f32 $2.000000030e-01, v3  }
0x54: {  	vm0 =	vgt.f32 v3, $0.0e+00  }
0x55: {  	v3 =	vsel vm0, v3, v4  }
0x56: {  	v3 =	vmul.f32 $1.442695020e+00, v3;
	_ =	sdelay $0x1  }
0x57: {  	(erf) = vpow2.f32 v3;
	_ =	sdelay $0x2  }
0x58: {  	v3 =	vld [tilespmem:$0x4F20]  }
0x59: {  	v4 =	vld [tilespmem:$0x4FA0];
	_ =	sdelay $0x3  }
0x5a: {  	v2 =	vadd.s32 v0, v2  }
0x5b: {  	[tilespmem:$0x4F10] =	vst v2;
	v5 =	vpop (erf)  }
0x5c: {  	[tilespmem:$0x5090] =	vst v5  }
0x5d: {  	v2 =	vld.idx.msk [tilespmem:v3+s2+$0x0], $0xffff  }
0x5e: {  	v4 =	vld.idx.msk [tilespmem:v4+s23+$0x0], $0xffff;
	_ =	sdelay $0x1  }
0x5f: {  	v5 =	vld [tilespmem:$0x5020];
	_ =	sdelay $0x2  }
0x60: {  	v2 =	vadd.f32 v4, v2;
	_ =	sdelay $0x1  }
0x61: {  	v2 =	vadd.f32 v5, v2;
	_ =	sdelay $0x1  }
0x62: {  	v4 =	vmul.f32 $2.000000030e-01, v2  }
0x63: {  	vm9 =	vgt.f32 v2, $0.0e+00  }
0x64: {  	v2 =	vsel vm9, v2, v4  }
0x65: {  	v2 =	vmul.f32 $1.442695020e+00, v2;
	_ =	sdelay $0x1  }
0x66: {  	(erf) = vpow2.f32 v2;
	_ =	sdelay $0x2  }
0x67: {  	v2 =	vld [tilespmem:$0x4F30]  }
0x68: {  	v4 =	vld [tilespmem:$0x4FB0];
	_ =	sdelay $0x3  }
0x69: {  	v3 =	vadd.s32 v0, v3  }
0x6a: {  	[tilespmem:$0x4F20] =	vst v3;
	v5 =	vpop (erf)  }
0x6b: {  	[tilespmem:$0x50A0] =	vst v5  }
0x6c: {  	v3 =	vld.idx.msk [tilespmem:v2+s2+$0x0], $0xffff  }
0x6d: {  	v4 =	vld.idx.msk [tilespmem:v4+s23+$0x0], $0xffff;
	_ =	sdelay $0x1  }
0x6e: {  	v5 =	vld [tilespmem:$0x5030];
	_ =	sdelay $0x2  }
0x6f: {  	v3 =	vadd.f32 v4, v3;
	_ =	sdelay $0x1  }
0x70: {  	v3 =	vadd.f32 v5, v3;
	_ =	sdelay $0x1  }
0x71: {  	v4 =	vmul.f32 $2.000000030e-01, v3  }
0x72: {  	vm10 =	vgt.f32 v3, $0.0e+00  }
0x73: {  	v3 =	vsel vm10, v3, v4  }
0x74: {  	v3 =	vmul.f32 $1.442695020e+00, v3;
	_ =	sdelay $0x1  }
0x75: {  	(erf) = vpow2.f32 v3;
	_ =	sdelay $0x2  }
0x76: {  	v3 =	vld [tilespmem:$0x4F40]  }
0x77: {  	v4 =	vld [tilespmem:$0x4FC0];
	_ =	sdelay $0x3  }
0x78: {  	v2 =	vadd.s32 v0, v2  }
0x79: {  	[tilespmem:$0x4F30] =	vst v2;
	v5 =	vpop (erf)  }
0x7a: {  	[tilespmem:$0x50B0] =	vst v5  }
0x7b: {  	v2 =	vld.idx.msk [tilespmem:v3+s2+$0x0], $0xffff  }
0x7c: {  	v4 =	vld.idx.msk [tilespmem:v4+s23+$0x0], $0xffff;
	_ =	sdelay $0x1  }
0x7d: {  	v5 =	vld [tilespmem:$0x5040];
	_ =	sdelay $0x2  }
0x7e: {  	v2 =	vadd.f32 v4, v2;
	_ =	sdelay $0x1  }
0x7f: {  	v2 =	vadd.f32 v5, v2;
	_ =	sdelay $0x1  }
0x80: {  	v4 =	vmul.f32 $2.000000030e-01, v2  }
0x81: {  	vm11 =	vgt.f32 v2, $0.0e+00  }
0x82: {  	v2 =	vsel vm11, v2, v4  }
0x83: {  	v2 =	vmul.f32 $1.442695020e+00, v2;
	_ =	sdelay $0x1  }
0x84: {  	(erf) = vpow2.f32 v2;
	_ =	sdelay $0x2  }
0x85: {  	v2 =	vld [tilespmem:$0x4F50]  }
0x86: {  	v4 =	vld [tilespmem:$0x4FD0];
	_ =	sdelay $0x3  }
0x87: {  	v3 =	vadd.s32 v0, v3  }
0x88: {  	[tilespmem:$0x4F40] =	vst v3;
	v5 =	vpop (erf)  }
0x89: {  	[tilespmem:$0x50C0] =	vst v5  }
0x8a: {  	v3 =	vld.idx.msk [tilespmem:v2+s2+$0x0], $0xffff  }
0x8b: {  	v4 =	vld.idx.msk [tilespmem:v4+s23+$0x0], $0xffff;
	_ =	sdelay $0x1  }
0x8c: {  	v5 =	vld [tilespmem:$0x5050];
	_ =	sdelay $0x2  }
0x8d: {  	v3 =	vadd.f32 v4, v3;
	_ =	sdelay $0x1  }
0x8e: {  	v3 =	vadd.f32 v5, v3;
	_ =	sdelay $0x1  }
0x8f: {  	v4 =	vmul.f32 $2.000000030e-01, v3  }
0x90: {  	vm12 =	vgt.f32 v3, $0.0e+00  }
0x91: {  	v3 =	vsel vm12, v3, v4  }
0x92: {  	v3 =	vmul.f32 $1.442695020e+00, v3;
	_ =	sdelay $0x1  }
0x93: {  	(erf) = vpow2.f32 v3;
	_ =	sdelay $0x2  }
0x94: {  	v3 =	vld [tilespmem:$0x4F60]  }
0x95: {  	v4 =	vld [tilespmem:$0x4FE0];
	_ =	sdelay $0x3  }
0x96: {  	v2 =	vadd.s32 v0, v2  }
0x97: {  	[tilespmem:$0x4F50] =	vst v2;
	v5 =	vpop (erf)  }
0x98: {  	[tilespmem:$0x50D0] =	vst v5  }
0x99: {  	v2 =	vld.idx.msk [tilespmem:v3+s2+$0x0], $0xffff  }
0x9a: {  	v4 =	vld.idx.msk [tilespmem:v4+s23+$0x0], $0xffff;
	_ =	sdelay $0x1  }
0x9b: {  	v5 =	vld [tilespmem:$0x5060];
	_ =	sdelay $0x2  }
0x9c: {  	v2 =	vadd.f32 v4, v2;
	_ =	sdelay $0x1  }
0x9d: {  	v2 =	vadd.f32 v5, v2;
	_ =	sdelay $0x1  }
0x9e: {  	v4 =	vmul.f32 $2.000000030e-01, v2  }
0x9f: {  	vm13 =	vgt.f32 v2, $0.0e+00  }
0xa0: {  	v2 =	vsel vm13, v2, v4  }
0xa1: {  	v2 =	vmul.f32 $1.442695020e+00, v2;
	_ =	sdelay $0x1  }
0xa2: {  	(erf) = vpow2.f32 v2;
	_ =	sdelay $0x2  }
0xa3: {  	v2 =	vld [tilespmem:$0x4F70]  }
0xa4: {  	v4 =	vld [tilespmem:$0x4FF0];
	_ =	sdelay $0x3  }
0xa5: {  	v3 =	vadd.s32 v0, v3  }
0xa6: {  	[tilespmem:$0x4F60] =	vst v3;
	v5 =	vpop (erf)  }
0xa7: {  	[tilespmem:$0x50E0] =	vst v5  }
0xa8: {  	v3 =	vld.idx.msk [tilespmem:v2+s2+$0x0], $0xffff  }
0xa9: {  	v4 =	vld.idx.msk [tilespmem:v4+s23+$0x0], $0xffff;
	_ =	sdelay $0x1  }
0xaa: {  	v5 =	vld [tilespmem:$0x5070];
	_ =	sdelay $0x2  }
0xab: {  	v3 =	vadd.f32 v4, v3;
	_ =	sdelay $0x1  }
0xac: {  	v3 =	vadd.f32 v5, v3;
	_ =	sdelay $0x1  }
0xad: {  	v4 =	vmul.f32 $2.000000030e-01, v3  }
0xae: {  	vm14 =	vgt.f32 v3, $0.0e+00  }
0xaf: {  	v3 =	vsel vm14, v3, v4  }
0xb0: {  	v3 =	vmul.f32 $1.442695020e+00, v3;
	_ =	sdelay $0x1  }
0xb1: {  	(erf) = vpow2.f32 v3;
	_ =	sdelay $0x2  }
0xb2: {  	v3 =	vld [tilespmem:$0x4F80]  }
0xb3: {  	v4 =	vld [tilespmem:$0x5000];
	_ =	sdelay $0x3  }
0xb4: {  	v2 =	vadd.s32 v0, v2  }
0xb5: {  	[tilespmem:$0x4F70] =	vst v2;
	v5 =	vpop (erf)  }
0xb6: {  	[tilespmem:$0x50F0] =	vst v5  }
0xb7: {  	v2 =	vld.idx.msk [tilespmem:v3+s2+$0x0], $0xffff  }
0xb8: {  	v4 =	vld.idx.msk [tilespmem:v4+s23+$0x0], $0xffff;
	_ =	sdelay $0x1  }
0xb9: {  	v5 =	vld [tilespmem:$0x5080];
	_ =	sdelay $0x2  }
0xba: {  	v2 =	vadd.f32 v4, v2;
	_ =	sdelay $0x1  }
0xbb: {  	v2 =	vadd.f32 v5, v2;
	_ =	sdelay $0x1  }
0xbc: {  	v4 =	vmul.f32 $2.000000030e-01, v2  }
0xbd: {  	vm15 =	vgt.f32 v2, $0.0e+00  }
0xbe: {  	v2 =	vsel vm15, v2, v4  }
0xbf: {  	v2 =	vmul.f32 $1.442695020e+00, v2;
	_ =	sdelay $0x1  }
0xc0: {  	(erf) = vpow2.f32 v2;
	_ =	sdelay $0x8  }
0xc1: {  	v2 =	vpop (erf)  }
0xc2: {  	[tilespmem:$0x5100] =	vst v2;
	v2 =	vadd.s32 v0, v3  }
0xc3: {  	[tilespmem:$0x4F80] =	vst v2  }
0xc4: {  	v2 =	vmov s2;
	[tilespmem:s24], [sflag:$0x1] =	stream.indirect.gather [hbm4b:s9+s29], $0x20, s25, s29, $0xb8;
	[tilespmem:$0xB110] =	vst v63  }
0xc5: {  	_ =	swait.ge [sflag:s30], $0x1000  }
0xc6: {  	[sflag:s30] =	ssyncset.done $0x0  }
0xc7: {  	s1 =	simm.s32 $0x5120;
	[sflag:s30] =	ssyncadd.s32 $0xFFFFF000  }
0xc8: {  	v3 =	vld [tilespmem:s1+$0xFFFFFFF0]  }
0xc9: {  	v4 =	vld.idx.msk [tilespmem:v2+s31+$0x0], $0xffff  }
0xca: {  	v5 =	vld [tilespmem:s1+$0x0];
	_ =	sdelay $0x2  }
0xcb: {  	s16 =	simm.s32 $0x1  }
0xcc: {  	s4 =	simm.s32 $0x5120;
	v2 =	vmov s16;
	s16 =	simm.s32 $0x2  }
.LBB2_5:
0xcd: {  	p0 =	sne.s32 s16, $0x7F;
	v3 =	vmul.f32 v3, v4;
	v4 =	vmul.f32 v5, v4;
	_ =	sdelay $0x1  }
0xce: {  	s4 =	sadd.s32 $0x20, s4;
	[tilespmem:s1+$0xFFFFFFF0] =	vst v3  }
0xcf: {  	v3 =	vld [tilespmem:s4+$0xFFFFFFF0];
	[tilespmem:s1+$0x0] =	vst v4;
	s1 =	smov.u32 s4  }
0xd0: {  	v4 =	vld.idx.msk [tilespmem:v2+s31+$0x0], $0xffff  }
.Ltmp1:
0xd1: {  	v5 =	vld [tilespmem:s4+$0x0];
	(pc) =	sbr.rel @p0 .LBB2_5-.Ltmp1, $2  }
0xd2: {  	_ =	sdelay $0x2  }
0xd3: {  	v2 =	vmov s16;
	s16 =	sadd.s32 $0x1, s16  }
0xd4: {  	v3 =	vmul.f32 v3, v4  }
0xd5: {  	v63 =	vmul.f32 v5, v4  }
0xd6: {  	s4 =	sadd.s32 $0x20, s4;
	[tilespmem:s1+$0xFFFFFFF0] =	vst v3  }
0xd7: {  	v3 =	vld [tilespmem:s4+$0xFFFFFFF0];
	[tilespmem:s1+$0x0] =	vst v63  }
0xd8: {  	v2 =	vld.idx.msk [tilespmem:v2+s31+$0x0], $0xffff  }
0xd9: {  	v4 =	vld [tilespmem:s4+$0x0];
	_ =	sdelay $0x3  }
0xda: {  	v3 =	vmul.f32 v3, v2  }
0xdb: {  	s5 =	sadd.s32 $0x1, s5;
	v2 =	vmul.f32 v4, v2  }
0xdc: {  	p0 =	sne.s32 s5, $0xA2;
	[tilespmem:s4+$0xFFFFFFF0] =	vst v3  }
.Ltmp2:
0xdd: {  	[tilespmem:s4+$0x0] =	vst v2;
	(pc) =	sbr.rel @p0 .LBB2_4-.Ltmp2, $4  }
0xde: {  	[spmem:s3] =	stream.indirect.scatter.add.f32 [tilespmem:s24], [sflag:$0x2], $0x20, s26, s29, $0xb8;
	[tilespmem:$0xB110] =	vst v63  }
0xdf: {  	_ =	swait.ge [sflag:s22], $0x1000  }
0xe0: {  	[sflag:s22] =	ssyncset.done $0x0  }
0xe1: {  	[sflag:s22] =	ssyncadd.s32 $0xFFFFF000  }
0xe2: {  	s1 =	stileid.u32  }
0xe3: {  	[bflag:$0x0] =	sbarrier.arrive $0xFFFF;
	s1 =	sshll.u32 s1, $0x6  }
0xe4: {  	s2 =	sshrl.u32 s10, $0x3;
	s4 =	rddreg [dreg:$0x4];
	s1 =	sor.u32 $0x1C02, s1  }
0xe5: {  	[hbm:s4], [sflag:s1] =	dma.local [spmem:s2], $0x200  }
0xe6: {  	_ =	swait.ge [sflag:s22], $0x200  }
0xe7: {  	[sflag:s22] =	ssyncset.done $0x0  }
0xe8: {  	s16 =	sshrl.u32 s11, $0x3;
	[sflag:s22] =	ssyncadd.s32 $0xFFFFFE00  }
0xe9: {  	[hbm:s17], [sflag:s1] =	dma.local [spmem:s16], $0x200  }
0xea: {  	_ =	swait.ge [sflag:s22], $0x200  }
0xeb: {  	[sflag:s22] =	ssyncset.done $0x0  }
0xec: {  	s4 =	sshrl.u32 s12, $0x3;
	[sflag:s22] =	ssyncadd.s32 $0xFFFFFE00  }
0xed: {  	[hbm:s18], [sflag:s1] =	dma.local [spmem:s4], $0x200  }
0xee: {  	_ =	swait.ge [sflag:s22], $0x200  }
0xef: {  	[sflag:s22] =	ssyncset.done $0x0  }
0xf0: {  	s5 =	sshrl.u32 s13, $0x3;
	[sflag:s22] =	ssyncadd.s32 $0xFFFFFE00  }
0xf1: {  	[hbm:s19], [sflag:s1] =	dma.local [spmem:s5], $0x200  }
0xf2: {  	s0 =	sadd.s32 $0x1, s0;
	_ =	swait.ge [sflag:s22], $0x200  }
0xf3: {  	p0 =	sne.s32 s0, s21;
	[sflag:s22] =	ssyncset.done $0x0  }
.Ltmp3:
0xf4: {  	s16 =	sshrl.u32 s14, $0x3;
	[sflag:s22] =	ssyncadd.s32 $0xFFFFFE00;
	(pc) =	sbr.rel @p0 .LBB2_1-.Ltmp3, $4  }
0xf5: {  	[hbm:s20], [sflag:s1] =	dma.local [spmem:s16], $0x200  }
0xf6: {  	_ =	swait.ge [sflag:s22], $0x200  }
0xf7: {  	[sflag:s22] =	ssyncset.done $0x0  }
0xf8: {  	[sflag:s22] =	ssyncadd.s32 $0xFFFFFE00  }
0xf9: {  	_ =	sfence.sel $0x180000  }
0xfa: {  	[bflag:$0x0] =	sbarrier.arrive $0xFFFF  }
0xfb: {  	_ =	strace $0x9000004A  }
0xfc: {  	s0 =	stileid.u32;
	[bflag:$0x2] =	sbarrier.arrive $0xFFFF  }
0xfd: {  	p0 =	sne.s32 s0, $0x0;
	s0 =	rddreg [dreg:$0x3]  }
0xfe: {  	s0 =	sadd.s32 @!p0 $0x100000, s0  }
0xff: {  	[sflag:s0] =	ssyncadd.tile.s32 @!p0 $0x1;
	_ =	shalt  }
.Lfunc_end2:
_tile_overlayer_lowered:
.L_overlay_start_2:
0x100: {  	(tag) =	ssettag $0x2  }
0x101: {  	s0 =	rddreg [dreg:$0x0];
	s2 =	stileid.u32  }
0x102: {  	s1 =	rddreg [dreg:$0x1];
	p0 =	sne.s32 s2, $0x0  }
0x103: {  	s3 =	rddreg [dreg:$0x2];
	[bflag:$0x3] =	sbarrier.arrive $0xFFFF;
	s2 =	simm.s32 @!p0 $0x1C02  }
0x104: {  	[timem:s3], [sflag:s2] =	dma.local @!p0 [hbm:s0], s1  }
0x105: {  	s0 =	simm.s32 @!p0 $0x2  }
0x106: {  	_ =	swait.ge @!p0 [sflag:s0], s1  }
0x107: {  	s1 =	ssub.s32 @!p0 $0x0, s1;
	[sflag:s0] =	ssyncset.done @!p0 $0x0  }
0x108: {  	[sflag:s0] =	ssyncadd.s32 @!p0 s1  }
0x109: {  	[bflag:$0x3] =	sbarrier.arrive $0xFFFF  }
0x10a: {  	_ =	shalt  }

// kernel: kernel.8.cloned.1.call-start
scs
__scs_entry_jumppad:
0x0: {  	(pc) =	sbr.rel $0x88, $3  }
0x1: {  	(tag) =	ssettag $0x0;
	lr =	simm.s32 $0x1  }
0x2: {  	[smem:$0x3F90] =	sst lr;
	_ =	strace $0xD0000000  }
0x3: {  	_ = 	snop  }
0x4: {  	_ = 	snop  }
0x5: {  	_ = 	snop  }
0x6: {  	_ = 	snop  }
0x7: {  	_ = 	snop  }
__scs_overlays_trampoline_lowered:
0x8: {  	[smem:$0x3F9F] =	sst s0  }
0x9: {  	[smem:$0x3FA0] =	sst s1  }
0xa: {  	[smem:$0x3FA1] =	sst s2  }
0xb: {  	[smem:$0x3FA2] =	sst s3  }
0xc: {  	[smem:$0x3FA3] =	sst s4  }
0xd: {  	[smem:$0x3FA4] =	sst s5  }
0xe: {  	[smem:$0x3FA5] =	sst s6  }
0xf: {  	[smem:$0x3FA6] =	sst s7  }
0x10: {  	[smem:$0x3FA7] =	sst s8  }
0x11: {  	[smem:$0x3FA8] =	sst s9;
	s0 =	simm.s32 @!p0 $0x0  }
0x12: {  	s1 =	sld [smem:$0x3F8E];
	s0 =	simm.s32 @p0 $0x1  }
0x13: {  	[smem:$0x3FA9] =	sst s0;
	s0 =	simm.s32 @!p1 $0x0  }
0x14: {  	s2 =	sld [smem:$0x3F8D];
	s0 =	simm.s32 @p1 $0x1  }
0x15: {  	[smem:$0x3FAA] =	sst s0;
	s0 =	simm.s32 @!p2 $0x0  }
0x16: {  	s3 =	sld [smem:$0x3FDB];
	s0 =	simm.s32 @p2 $0x1  }
0x17: {  	s4 =	simm.s32 $0x1BF5;
	[smem:$0x3FAC] =	sst s0  }
0x18: {  	s0 =	sld [smem:$0x3F8F];
	_ =	swait.ge [sflag:s4], $0x0  }
0x19: {  	s7 =	sld [smem:$0x3F90]  }
0x1a: {  	s8 =	sadd.s32 $0xFFFFE003, lr  }
0x1b: {  	s9 =	sadd.s32 $0xFFFFFEF7, lr;
	s5 =	simm.s32 $0xFFFFFFFF;
	p2 =	slt.u32 s8, $0xFFFFF086  }
0x1c: {  	p1 =	slt.u32 s9, $0xF7A;
	s5 =	simm.s32 @!p2 $0x0  }
0x1d: {  	s5 =	simm.s32 @p1 $0x1;
	p0 =	seq.s32 s7, s2  }
0x1e: {  	s7 =	smul.u32 @!p0 $0xF7A, s2;
	p2 =	seq.s32 @!p0 s5, $0x0  }
0x1f: {  	s9 =	smul.u32 $0xF7A, s1;
	s8 =	simm.s32 @!p0 $0x1BF5;
	p2 =	por !p2, p0  }
0x20: {  	[sflag:s8] =	ssyncset.s32 @!p0 $0xFFFFF086;
	s6 =	sadd.s32 @!p0 s3, s7;
	s7 =	simm.s32 @!p0 $0x108  }
0x21: {  	s3 =	sadd.s32 s3, s9;
	s6 =	sadd.s32 @!p0 $0x88, s6;
	s7 =	simm.s32 @p2 $0x1082  }
0x22: {  	[simem:s7], [sflag:s8] =	dma.local @!p0 [hbm:s6], $0xF7A  }
0x23: {  	s9 =	sor.u32 $0xD0000000, s2;
	s6 =	simm.s32 $0x108;
	_ =	swait.ge @!p0 [sflag:s8], $0x0  }
0x24: {  	s3 =	sadd.s32 $0x88, s3;
	s6 =	simm.s32 @!p1 $0x1082;
	[sflag:s4] =	ssyncset.s32 $0xFFFFF086  }
0x25: {  	[simem:s6], [sflag:s4] =	dma.local [hbm:s3], $0xF7A  }
0x26: {  	[smem:$0x3F90] =	sst s1;
	(tag) =	ssettag s2;
	_ =	strace s9  }
0x27: {  	s1 =	sld [smem:$0x3FA0]  }
0x28: {  	s2 =	sld [smem:$0x3FA1]  }
0x29: {  	s4 =	sld [smem:$0x3FA3]  }
0x2a: {  	p0 =	seq.s32 s5, $0x0;
	s5 =	sld [smem:$0x3FA4]  }
0x2b: {  	s6 =	sld [smem:$0x3FA5]  }
0x2c: {  	s7 =	sld [smem:$0x3FA6]  }
0x2d: {  	s3 =	simm.s32 $0x108;
	s8 =	sld [smem:$0x3FA7]  }
0x2e: {  	s3 =	simm.s32 @!p0 $0x1082;
	s9 =	sld [smem:$0x3FA8]  }
0x2f: {  	lr =	sadd.s32 s0, s3;
	s0 =	sld [smem:$0x3F9F]  }
0x30: {  	s3 =	sld [smem:$0x3FA2]  }
0x31: {  	[smem:$0x3FAB] =	sst s10  }
0x32: {  	s10 =	sld [smem:$0x3FA9];
	_ =	sdelay $0x3  }
0x33: {  	p0 =	seq.s32 s10, $0x1;
	s10 =	sld [smem:$0x3FAB];
	_ =	sdelay $0x3  }
0x34: {  	[smem:$0x3FAB] =	sst s10  }
0x35: {  	s10 =	sld [smem:$0x3FAA];
	_ =	sdelay $0x3  }
0x36: {  	p1 =	seq.s32 s10, $0x1;
	s10 =	sld [smem:$0x3FAB];
	_ =	sdelay $0x3  }
0x37: {  	[smem:$0x3FAB] =	sst s10  }
0x38: {  	s10 =	sld [smem:$0x3FAC]  }
0x39: {  	_ = 	snop;
	(pc) =	sbr.ind lr, $3  }
0x3a: {  	_ = 	snop  }
0x3b: {  	_ = 	snop  }
0x3c: {  	p2 =	seq.s32 s10, $0x1;
	s10 =	sld [smem:$0x3FAB]  }
0x3d: {  	_ =	shalt  }
0x3e: {  	_ =	shalt  }
0x3f: {  	_ =	shalt  }
0x40: {  	_ =	shalt  }
0x41: {  	_ =	shalt  }
0x42: {  	_ =	shalt  }
0x43: {  	_ =	shalt  }
0x44: {  	_ =	shalt  }
0x45: {  	_ =	shalt  }
0x46: {  	_ =	shalt  }
0x47: {  	_ =	shalt  }
0x48: {  	_ =	shalt  }
0x49: {  	_ =	shalt  }
0x4a: {  	_ =	shalt  }
0x4b: {  	_ =	shalt  }
0x4c: {  	_ =	shalt  }
0x4d: {  	_ =	shalt  }
0x4e: {  	_ =	shalt  }
0x4f: {  	_ =	shalt  }
0x50: {  	_ =	shalt  }
0x51: {  	_ =	shalt  }
0x52: {  	_ =	shalt  }
0x53: {  	_ =	shalt  }
0x54: {  	_ =	shalt  }
0x55: {  	_ =	shalt  }
0x56: {  	_ =	shalt  }
0x57: {  	_ =	shalt  }
0x58: {  	_ =	shalt  }
0x59: {  	_ =	shalt  }
0x5a: {  	_ =	shalt  }
0x5b: {  	_ =	shalt  }
0x5c: {  	_ =	shalt  }
0x5d: {  	_ =	shalt  }
0x5e: {  	_ =	shalt  }
0x5f: {  	_ =	shalt  }
0x60: {  	_ =	shalt  }
0x61: {  	_ =	shalt  }
0x62: {  	_ =	shalt  }
0x63: {  	_ =	shalt  }
0x64: {  	_ =	shalt  }
0x65: {  	_ =	shalt  }
0x66: {  	_ =	shalt  }
0x67: {  	_ =	shalt  }
0x68: {  	_ =	shalt  }
0x69: {  	_ =	shalt  }
0x6a: {  	_ =	shalt  }
0x6b: {  	_ =	shalt  }
0x6c: {  	_ =	shalt  }
0x6d: {  	_ =	shalt  }
0x6e: {  	_ =	shalt  }
0x6f: {  	_ =	shalt  }
0x70: {  	_ =	shalt  }
0x71: {  	_ =	shalt  }
0x72: {  	_ =	shalt  }
0x73: {  	_ =	shalt  }
0x74: {  	_ =	shalt  }
0x75: {  	_ =	shalt  }
0x76: {  	_ =	shalt  }
0x77: {  	_ =	shalt  }
0x78: {  	_ =	shalt  }
0x79: {  	_ =	shalt  }
0x7a: {  	_ =	shalt  }
0x7b: {  	_ =	shalt  }
0x7c: {  	_ =	shalt  }
0x7d: {  	_ =	shalt  }
0x7e: {  	_ =	shalt  }
0x7f: {  	_ =	shalt  }
0x80: {  	_ =	shalt  }
0x81: {  	_ =	shalt  }
0x82: {  	_ =	shalt  }
0x83: {  	_ =	shalt  }
0x84: {  	_ =	shalt  }
0x85: {  	_ =	shalt  }
0x86: {  	_ =	shalt  }
0x87: {  	_ =	shalt  }
.Lfunc_end0:
.L_simem_size_0:
called_computation_lowered:
.L_overlay_start_0:
0x88: {  	s2 =	sld [smem:$0x3FD9]  }
0x89: {  	s3 =	sld [smem:$0x3FFE];
	_ =	sdelay $0x1  }
0x8a: {  	s1 =	srdreg.scid  }
0x8b: {  	s0 =	sand.u32 $0x1, s1  }
0x8c: {  	s17 =	sshll.u32 s0, $0xA;
	s2 =	sadd.s32 s3, s2  }
0x8d: {  	s2 =	sadd.s32 s2, s17  }
0x8e: {  	[smem:$0x3FB7] =	sst s2  }
0x8f: {  	_ = 	snop  }
0x90: {  	s2 =	sld [smem:$0x3FD0];
	(tm) =	ssettm $0x1  }
0x91: {  	s18 =	sld [smem:$0x3FFB];
	_ =	sdelay $0x3  }
0x92: {  	_ =	strace s18  }
0x93: {  	s3 =	sld [smem:$0x3FFC];
	_ =	sdelay $0x3  }
0x94: {  	_ =	strace s3  }
0x95: {  	s3 =	sld [smem:$0x3FFD];
	_ =	sdelay $0x3  }
0x96: {  	_ =	strace s3  }
0x97: {  	_ =	strace $0x8FFFFFFF  }
0x98: {  	s19 =	sld [smem:$0x3FDB];
	_ =	sdelay $0x1  }
0x99: {  	s4 =	simm.s32 $_scs_section_size  }
0x9a: {  	s5 =	simm.s32 $_size__tile_overlayer_lowered;
	s6 =	simm.s32 $_tile_overlayer_lowered  }
0x9b: {  	s22 =	simm.s32 $0x1BFF;
	s21 =	sshll.u32 s6, $0x1;
	s3 =	sadd.s32 s4, s19  }
0x9c: {  	s7 =	simm.s32 $0x0;
	s20 =	sshll.u32 s5, $0x1;
	s5 =	sadd.s32 s21, s3  }
0x9d: {  	[timem:s7], [sflag:s22] =	dma.local [hbm:s5], s20  }
0x9e: {  	_ =	swait.ge [sflag:s22], s20  }
0x9f: {  	s4 =	ssub.s32 $0x0, s20;
	[sflag:s22] =	ssyncset.done $0x0  }
0xa0: {  	[sflag:s22] =	ssyncadd.s32 s4;
	_ =	sdelay $0x1  }
0xa1: {  	s23 =	simm.s32 $0x1B8B  }
0xa2: {  	_ =	swait.ge [sflag:s23], $0x1  }
0xa3: {  	[sflag:s23] =	ssyncset.done $0x0  }
0xa4: {  	s25 =	simm.s32 $0x1B8E;
	s24 =	sld [smem:$0x3FFE];
	[sflag:s23] =	ssyncadd.s32 $0xFFFFFFFF  }
0xa5: {  	s26 =	simm.s32 $execute0_lowered;
	[smem:$0x3FD2] =	sst s25  }
0xa6: {  	s5 =	sshll.u32 s26, $0x1;
	_ =	strace $0x80000046;
	[dreg:$0x1] =	wrdreg $0xFFFFFFFF  }
0xa7: {  	s28 =	simm.s32 $_size_execute0_lowered;
	s3 =	sadd.s32 s3, s5;
	[dreg:$0x0] =	wrdreg $0x0  }
0xa8: {  	s5 =	sshll.u32 s28, $0x1;
	[dreg:$0x2] =	wrdreg s3  }
0xa9: {  	[dreg:$0x3] =	wrdreg s5  }
0xaa: {  	[dreg:$0x4] =	wrdreg $0xC0  }
0xab: {  	_ =	task [dreg:s7], $0x5FFFF  }
0xac: {  	[dreg:$0x1] =	wrdreg $0xFFFFFFFF  }
0xad: {  	[dreg:$0x0] =	wrdreg $0x60  }
0xae: {  	[dreg:$0x2] =	wrdreg s24  }
0xaf: {  	[dreg:$0x3] =	wrdreg s2  }
0xb0: {  	[dreg:$0x4] =	wrdreg $0x55800  }
0xb1: {  	[dreg:$0x5] =	wrdreg $0x9  }
0xb2: {  	_ =	task.clear_ibuf [dreg:s7], $0x6FFFF;
	_ =	strace $0x90000046  }
0xb3: {  	s29 =	simm.s32 $0x9;
	_ =	strace $0x80000048  }
0xb4: {  	_ =	swait.ge [sflag:s29], $0x1  }
0xb5: {  	[sflag:s29] =	ssyncadd.s32 $0xFFFFFFFF  }
0xb6: {  	_ =	strace $0x90000048  }
0xb7: {  	_ =	sfence  }
0xb8: {  	s30 =	sld [smem:$0x0];
	_ =	sdelay $0x2  }
0xb9: {  	s31 =	sshll.u32 s1, $0xD;
	s1 =	sshrl.u32 s1, $0x2  }
0xba: {  	s3 =	sand.u32 $0x4000, s31;
	s1 =	sadd.s32 s1, s30  }
0xbb: {  	s0 =	sor.u32 s3, s0;
	s1 =	sshll.u32 s1, $0x11  }
0xbc: {  	s0 =	sor.u32 s1, s0  }
0xbd: {  	s0 =	sadd.s32 $0x8F2B, s0  }
0xbe: {  	[sflag:s0] =	ssyncadd.remote.s32 $0x1  }
0xbf: {  	_ =	sfence.sel $0xFFFF  }
0xc0: {  	[dreg:$0x0] =	wrdreg $0xFFFFFFFF;
	(pc) =	sbr.abs _section_cstart, $3  }
0xc1: {  	[dreg:$0x1] =	wrdreg $0xFFFFFFFF  }
0xc2: {  	_ =	task.clear_ibuf [dreg:s7], $0x2FFFF;
	_ =	strace $0x9FFFFFFF  }
0xc3: {  	(tm) =	ssettm $0x7FFFFFFF  }
tec
execute0_lowered:
.L_overlay_start_1:
0x0: {  	(tag) =	ssettag $0x1  }
0x1: {  	s1 =	rddreg [dreg:$0x0]  }
0x2: {  	s2 =	rddreg [dreg:$0x1]  }
0x3: {  	s3 =	rddreg [dreg:$0x2]  }
0x4: {  	s5 =	simm.s32 $0x0;
	s22 =	stileid.u32;
	s0 =	srdreg.scid  }
0x5: {  	s28 =	simm.s32 $0x180;
	s29 =	simm.s32 $0x100;
	s30 =	simm.s32 $0x580  }
0x6: {  	s31 =	simm.s32 $0x1;
	[smem:$0x7FF] =	sst s5;
	s4 =	smul.u32 $0x280, s22  }
0x7: {  	s6 =	sadd.s32 $0xF200, s1;
	s7 =	sadd.s32 $0x5000, s1;
	s13 =	smul.u32 $0x5A000, s22  }
0x8: {  	v0 =	vimm.s32 $0x183;
	vm0 =	vcmask $0x300;
	s8 =	sadd.s32 $0x19400, s1;
	s0 =	sand.u32 $0x1, s0;
	s17 =	smul.u32 $0xA2, s22  }
0x9: {  	vm14 =	vcmask $0x704;
	s9 =	sadd.s32 $0xEA600, s1;
	v0 =	vsel vm0, $0x0, v0;
	s18 =	sadd.s32 $0x6A400, s1;
	s16 =	smul.u32 $0x2710, s0  }
0xa: {  	vm15 =	vcmask $0xB08;
	_ =	strace $0x80000047;
	s10 =	ssub.s32 $0x2, s0;
	v0 =	vsel vm14, $0x80, v0;
	s20 =	smul.u32 $0x2800, s0  }
0xb: {  	vm4 =	vcmask $0xF0C;
	s0 =	smul.u32 $0xA20, s0;
	s14 =	sadd.s32 $0x80, s4;
	s11 =	sshrl.u32 s10, $0x1;
	v0 =	vsel vm15, $0x100, v0  }
0xc: {  	vm5 =	vcmask $0x1310;
	s21 =	sshrl.u32 s13, $0x2;
	s24 =	sadd.s32 $0x24000, s13;
	s15 =	sadd.s32 $0x36000, s13;
	v0 =	vsel vm4, $0x180, v0  }
0xd: {  	vm6 =	vcmask $0x1714;
	s12 =	smul.u32 $0x240, s14;
	s19 =	ssub.s32 s10, s11;
	s10 =	sadd.s32 s21, s3;
	v0 =	vsel vm5, $0x1, v0  }
0xe: {  	vm7 =	vcmask $0x1B18;
	s15 =	sshrl.u32 s15, $0x2;
	s4 =	sadd.s32 s4, s20;
	s21 =	sadd.s32 $0x48000, s13;
	v0 =	vsel vm6, $0x81, v0  }
0xf: {  	vm8 =	vcmask $0x1F1C;
	s14 =	sadd.s32 s20, s14;
	s17 =	sadd.s32 s17, s0;
	s4 =	smul.u32 $0x12, s4;
	v0 =	vsel vm7, $0x101, v0  }
0x10: {  	vm9 =	vcmask $0x2320;
	s0 =	simm.s32 $0xB80;
	s13 =	sadd.s32 s15, s3;
	s26 =	smul.u32 $0x12, s14;
	v0 =	vsel vm8, $0x181, v0  }
0x11: {  	vm10 =	vcmask $0x2724;
	s25 =	sshrl.u32 s21, $0x2;
	s15 =	smul.u32 $0x5100, s22;
	s23 =	sshrl.u32 s12, $0x2;
	v1 =	vsel vm9, $0x2, v0  }
0x12: {  	vm11 =	vcmask $0x2B28;
	s11 =	sadd.s32 s23, s3;
	s23 =	sadd.s32 s18, s26;
	v0 =	vmov s16;
	s16 =	sadd.s32 s18, s4;
	v2 =	vsel vm10, $0x82, v1  }
0x13: {  	vm12 =	vcmask $0x2F2C;
	v4 =	vlaneseq.u32;
	s12 =	sshrl.u32 s24, $0x2;
	[dreg:$0x4] =	wrdreg s23;
	s24 =	sadd.s32 $0x1200, s16;
	v3 =	vsel vm11, $0x102, v2  }
0x14: {  	vm13 =	vcmask $0x3330;
	v5 =	vshrl.u32 v4, $0x2;
	s14 =	sadd.s32 s25, s3;
	s25 =	sadd.s32 $0x1B00, s16;
	[dreg:$0x5] =	wrdreg s24;
	v3 =	vsel vm12, $0x182, v3  }
0x15: {  	v4 =	vand.u32 $0x3, v4;
	vm14 =	vcmask $0x3734;
	s22 =	smax.u32 s19, $0x1;
	s26 =	sadd.s32 $0x2400, s16;
	[dreg:$0x6] =	wrdreg s25;
	v3 =	vsel vm13, $0x3, v3  }
0x16: {  	vm15 =	vcmask $0x3B38;
	s12 =	sadd.s32 s12, s3;
	s23 =	simm.s32 $0xD80;
	[dreg:$0x7] =	wrdreg s26;
	v6 =	vsel vm14, $0x83, v3;
	v3 =	vmul.u32 $0x8, v5  }
0x17: {  	v1 =	vmov s20;
	v2 =	vimm.f32 $0.0e+00;
	s24 =	simm.s32 $0x2;
	s25 =	simm.s32 $0x80;
	s26 =	simm.s32 $0x980;
	v5 =	vsel vm15, $0x103, v6  }
.LBB2_1:
0x18: {  	s4 =	simm.s32 $0x1;
	[tilespmem:s23+$0x0] =	vst v2;
	s18 =	simm.s32 $0xD80  }
.LBB2_2:
0x19: {  	p0 =	sne.s32 s4, $0x47F  }
.Ltmp0:
0x1a: {  	_ = 	snop;
	(pc) =	sbr.rel @p0 .LBB2_2-.Ltmp0, $3  }
0x1b: {  	_ =	sdelay $0x1  }
0x1c: {  	s4 =	sadd.s32 $0x1, s4;
	s18 =	sadd.s32 $0x10, s18  }
0x1d: {  	[tilespmem:s18+$0x0] =	vst v2  }
0x1e: {  	[spmem:s10] =	stream.linear.scatter [tilespmem:s23], [sflag:$0x2], $0x4800, $0x38;
	[tilespmem:$0x1BD80] =	vst v63  }
0x1f: {  	_ =	swait.ge [sflag:s24], $0x4800  }
0x20: {  	[sflag:s24] =	ssyncset.done $0x0  }
0x21: {  	[sflag:s24] =	ssyncadd.s32 $0xFFFFB800  }
0x22: {  	[spmem:s11] =	stream.linear.scatter [tilespmem:s23], [sflag:$0x2], $0x4800, $0x38;
	[tilespmem:$0x1BD80] =	vst v63  }
0x23: {  	_ =	swait.ge [sflag:s24], $0x4800  }
0x24: {  	[sflag:s24] =	ssyncset.done $0x0  }
0x25: {  	[sflag:s24] =	ssyncadd.s32 $0xFFFFB800  }
0x26: {  	[spmem:s12] =	stream.linear.scatter [tilespmem:s23], [sflag:$0x2], $0x4800, $0x38;
	[tilespmem:$0x1BD80] =	vst v63  }
0x27: {  	_ =	swait.ge [sflag:s24], $0x4800  }
0x28: {  	[sflag:s24] =	ssyncset.done $0x0  }
0x29: {  	[sflag:s24] =	ssyncadd.s32 $0xFFFFB800  }
0x2a: {  	[spmem:s13] =	stream.linear.scatter [tilespmem:s23], [sflag:$0x2], $0x4800, $0x38;
	[tilespmem:$0x1BD80] =	vst v63  }
0x2b: {  	_ =	swait.ge [sflag:s24], $0x4800  }
0x2c: {  	[sflag:s24] =	ssyncset.done $0x0  }
0x2d: {  	[sflag:s24] =	ssyncadd.s32 $0xFFFFB800  }
0x2e: {  	[spmem:s14] =	stream.linear.scatter [tilespmem:s23], [sflag:$0x2], $0x4800, $0x38;
	[tilespmem:$0x1BD80] =	vst v63  }
0x2f: {  	_ =	swait.ge [sflag:s24], $0x4800  }
0x30: {  	[sflag:s24] =	ssyncset.done $0x0  }
0x31: {  	[sflag:s24] =	ssyncadd.s32 $0xFFFFB800  }
0x32: {  	s4 =	simm.s32 $0x0;
	s18 =	simm.s32 $0x0;
	[bflag:$0x0] =	sbarrier.arrive $0xFFFF  }
.LBB2_4:
0x33: {  	s19 =	sshll.u32 s18, $0x7  }
0x34: {  	s19 =	sadd.s32 s15, s19  }
0x35: {  	s19 =	sshrl.u32 s19, $0x3  }
0x36: {  	s20 =	sadd.s32 s6, s19  }
0x37: {  	[tilespmem:s4], [sflag:$0x2] =	stream.linear.gather [hbm4b:s20+s4], $0x80, $0x38;
	[tilespmem:$0x1BD80] =	vst v63  }
0x38: {  	_ =	swait.ge [sflag:s24], $0x80  }
0x39: {  	[sflag:s24] =	ssyncset.done $0x0  }
0x3a: {  	s19 =	sadd.s32 s7, s19;
	[sflag:s24] =	ssyncadd.s32 $0xFFFFFF80  }
0x3b: {  	[tilespmem:s25], [sflag:$0x2] =	stream.linear.gather [hbm4b:s19+s4], $0x80, $0x38;
	[tilespmem:$0x1BD80] =	vst v63  }
0x3c: {  	s21 =	sadd.s32 s18, s17;
	_ =	swait.ge [sflag:s24], $0x80  }
0x3d: {  	s19 =	sshll.u32 s21, $0x6;
	[sflag:s24] =	ssyncset.done $0x0  }
0x3e: {  	s19 =	sadd.s32 s8, s19;
	[sflag:s24] =	ssyncadd.s32 $0xFFFFFF80  }
0x3f: {  	[tilespmem:s26], [sflag:$0x2] =	stream.linear.gather [hbm4b:s19+s4], $0x200, $0x38;
	[tilespmem:$0x1BD80] =	vst v63  }
0x40: {  	_ =	swait.ge [sflag:s24], $0x200  }
0x41: {  	[sflag:s24] =	ssyncset.done $0x0  }
0x42: {  	[sflag:s24] =	ssyncadd.s32 $0xFFFFFE00  }
0x43: {  	v6 =	vld [tilespmem:$0x0]  }
0x44: {  	v7 =	vld [tilespmem:$0x80]  }
0x45: {  	v8 =	vld [tilespmem:$0x10]  }
0x46: {  	v9 =	vld [tilespmem:$0x90]  }
0x47: {  	v10 =	vld [tilespmem:$0x20]  }
0x48: {  	v11 =	vld [tilespmem:$0xA0];
	v6 =	vadd.s32 v0, v6  }
0x49: {  	[tilespmem:$0x0] =	vst v6;
	v6 =	vadd.s32 v1, v7;
	v7 =	vld [tilespmem:$0x30]  }
0x4a: {  	[tilespmem:$0x100] =	vst v6;
	v6 =	vadd.s32 v0, v8;
	v8 =	vld [tilespmem:$0xB0]  }
0x4b: {  	v58 =	vld [tilespmem:$0x40];
	[tilespmem:$0x10] =	vst v6;
	v6 =	vadd.s32 v1, v9  }
0x4c: {  	v59 =	vld [tilespmem:$0xC0];
	[tilespmem:$0x110] =	vst v6;
	v6 =	vadd.s32 v0, v10  }
0x4d: {  	v60 =	vld [tilespmem:$0x50];
	[tilespmem:$0x20] =	vst v6;
	v6 =	vadd.s32 v1, v11  }
0x4e: {  	[tilespmem:$0x120] =	vst v6;
	v6 =	vadd.s32 v0, v7;
	v7 =	vld [tilespmem:$0xD0]  }
0x4f: {  	[tilespmem:$0x30] =	vst v6;
	v6 =	vadd.s32 v1, v8;
	v8 =	vld [tilespmem:$0x60]  }
0x50: {  	v61 =	vld [tilespmem:$0xE0];
	[tilespmem:$0x130] =	vst v6;
	v6 =	vadd.s32 v0, v58  }
0x51: {  	v62 =	vld [tilespmem:$0x70];
	[tilespmem:$0x40] =	vst v6;
	v6 =	vadd.s32 v1, v59  }
0x52: {  	v63 =	vld [tilespmem:$0xF0];
	[tilespmem:$0x140] =	vst v6;
	v6 =	vadd.s32 v0, v60  }
0x53: {  	[tilespmem:$0x50] =	vst v6;
	v6 =	vadd.s32 v1, v7  }
0x54: {  	[tilespmem:$0x150] =	vst v6;
	v6 =	vadd.s32 v0, v8  }
0x55: {  	[tilespmem:$0x60] =	vst v6;
	v6 =	vadd.s32 v1, v61  }
0x56: {  	[tilespmem:$0x160] =	vst v6;
	v6 =	vadd.s32 v0, v62  }
0x57: {  	[tilespmem:$0x70] =	vst v6;
	v6 =	vadd.s32 v1, v63  }
0x58: {  	[tilespmem:$0x170] =	vst v6  }
0x59: {  	[tilespmem:s28], [sflag:$0x1] =	stream.indirect.gather [hbm4b:s1+s25], $0x4, s4, s25, $0xb8;
	[tilespmem:$0x1BD80] =	vst v63  }
0x5a: {  	_ = 	snop  }
0x5b: {  	[tilespmem:s30], [sflag:$0x1] =	stream.indirect.gather [hbm4b:s2+s25], $0x4, s29, s25, $0xb8;
	[tilespmem:$0x1BD80] =	vst v63  }
0x5c: {  	_ = 	snop  }
0x5d: {  	[tilespmem:s23], [sflag:$0x1] =	stream.indirect.gather [hbm4b:s9+s25], $0x90, s4, s25, $0xb8;
	[tilespmem:$0x1BD80] =	vst v63  }
0x5e: {  	_ =	swait.ge [sflag:s31], $0x200  }
0x5f: {  	v6 =	vmov s4;
	[sflag:s31] =	ssyncset.done $0x0  }
0x60: {  	v7 =	vshll.u32 v6, $0x3;
	[sflag:s31] =	ssyncadd.s32 $0xFFFFFE00  }
0x61: {  	v7 =	vor.u32 v3, v7;
	_ =	swait.ge [sflag:s31], $0x200  }
0x62: {  	v7 =	vor.u32 v4, v7;
	[sflag:s31] =	ssyncset.done $0x0  }
0x63: {  	[sflag:s31] =	ssyncadd.s32 $0xFFFFFE00  }
0x64: {  	v6 =	vand.u32 $0x7F, v6;
	_ =	swait.ge [sflag:s31], $0x4800  }
0x65: {  	v6 =	vor.u32 v5, v6;
	[sflag:s31] =	ssyncset.done $0x0  }
0x66: {  	[sflag:s31] =	ssyncadd.s32 $0xFFFFB800  }
0x67: {  	v8 =	vld.idx.msk [tilespmem:v7+s30+$0x0], $0xffff  }
0x68: {  	v7 =	vld.idx.msk [tilespmem:v7+s28+$0x0], $0xffff;
	_ =	sdelay $0x1  }
0x69: {  	v6 =	vld.idx.msk [tilespmem:v6+s26+$0x0], $0xffff;
	_ =	sdelay $0x2  }
0x6a: {  	v7 =	vadd.f32 v8, v7;
	_ =	sdelay $0x1  }
0x6b: {  	v6 =	vadd.f32 v6, v7;
	_ =	sdelay $0x1  }
0x6c: {  	v7 =	vmul.f32 $2.000000030e-01, v6  }
0x6d: {  	vm0 =	vgt.f32 v6, $0.0e+00  }
0x6e: {  	v6 =	vsel vm0, v6, v7  }
0x6f: {  	v6 =	vmul.f32 $1.442695020e+00, v6;
	_ =	sdelay $0x1  }
0x70: {  	(erf) = vpow2.f32 v6;
	_ =	sdelay $0x1  }
0x71: {  	s20 =	simm.s32 $0x4  }
0x72: {  	v6 =	vmov s20  }
0x73: {  	v7 =	vshll.u32 v6, $0x3  }
0x74: {  	v7 =	vor.u32 v3, v7  }
0x75: {  	v7 =	vor.u32 v4, v7;
	_ =	sdelay $0x1  }
0x76: {  	v6 =	vand.u32 $0x7F, v6  }
0x77: {  	s19 =	simm.s32 $0xB80;
	v6 =	vor.u32 v5, v6;
	v8 =	vpop (erf)  }
0x78: {  	[tilespmem:s19+$0x0] =	vst v8  }
0x79: {  	v8 =	vld.idx.msk [tilespmem:v7+s30+$0x0], $0xffff  }
0x7a: {  	v7 =	vld.idx.msk [tilespmem:v7+s28+$0x0], $0xffff;
	_ =	sdelay $0x1  }
0x7b: {  	v6 =	vld.idx.msk [tilespmem:v6+s26+$0x0], $0xffff;
	_ =	sdelay $0x2  }
0x7c: {  	v7 =	vadd.f32 v8, v7;
	_ =	sdelay $0x1  }
0x7d: {  	v6 =	vadd.f32 v6, v7;
	_ =	sdelay $0x1  }
0x7e: {  	v7 =	vmul.f32 $2.000000030e-01, v6  }
0x7f: {  	vm15 =	vgt.f32 v6, $0.0e+00  }
0x80: {  	v6 =	vsel vm15, v6, v7  }
0x81: {  	v7 =	vmul.f32 $1.442695020e+00, v6;
	_ =	sdelay $0x1  }
0x82: {  	(erf) = vpow2.f32 v7;
	_ =	sdelay $0x1  }
0x83: {  	s21 =	simm.s32 $0x8  }
0x84: {  	v6 =	vmov s21  }
0x85: {  	s20 =	simm.s32 $0xC;
	v7 =	vshll.u32 v6, $0x3  }
.LBB2_5:
0x86: {  	p0 =	sne.s32 s20, $0x7C;
	v7 =	vor.u32 v3, v7  }
0x87: {  	v7 =	vor.u32 v4, v7;
	_ =	sdelay $0x1  }
0x88: {  	v6 =	vand.u32 $0x7F, v6  }
0x89: {  	s19 =	sadd.s32 $0x10, s19;
	v6 =	vor.u32 v5, v6;
	v8 =	vpop (erf)  }
0x8a: {  	[tilespmem:s19+$0x0] =	vst v8  }
0x8b: {  	v8 =	vld.idx.msk [tilespmem:v7+s30+$0x0], $0xffff  }
0x8c: {  	v7 =	vld.idx.msk [tilespmem:v7+s28+$0x0], $0xffff;
	_ =	sdelay $0x1  }
0x8d: {  	v6 =	vld.idx.msk [tilespmem:v6+s26+$0x0], $0xffff;
	_ =	sdelay $0x3  }
0x8e: {  	v7 =	vadd.f32 v8, v7;
	_ =	sdelay $0x1  }
0x8f: {  	v6 =	vadd.f32 v6, v7;
	_ =	sdelay $0x1  }
0x90: {  	v7 =	vmul.f32 $2.000000030e-01, v6  }
0x91: {  	vm0 =	vgt.f32 v6, $0.0e+00  }
0x92: {  	v6 =	vsel vm0, v6, v7  }
0x93: {  	v6 =	vmul.f32 $1.442695020e+00, v6;
	_ =	sdelay $0x1  }
.Ltmp1:
0x94: {  	(erf) = vpow2.f32 v6;
	(pc) =	sbr.rel @p0 .LBB2_5-.Ltmp1, $3  }
0x95: {  	_ =	sdelay $0x1  }
0x96: {  	v6 =	vmov s20  }
0x97: {  	s20 =	sadd.s32 $0x4, s20;
	v7 =	vshll.u32 v6, $0x3  }
0x98: {  	v7 =	vor.u32 v3, v7  }
0x99: {  	v7 =	vor.u32 v4, v7;
	_ =	sdelay $0x1  }
0x9a: {  	v6 =	vand.u32 $0x7F, v6  }
0x9b: {  	s19 =	sadd.s32 $0x10, s19;
	v6 =	vor.u32 v5, v6;
	v8 =	vpop (erf)  }
0x9c: {  	[tilespmem:s19+$0x0] =	vst v8  }
0x9d: {  	v8 =	vld.idx.msk [tilespmem:v7+s30+$0x0], $0xffff  }
0x9e: {  	v7 =	vld.idx.msk [tilespmem:v7+s28+$0x0], $0xffff;
	_ =	sdelay $0x1  }
0x9f: {  	v6 =	vld.idx.msk [tilespmem:v6+s26+$0x0], $0xffff;
	_ =	sdelay $0x2  }
0xa0: {  	v7 =	vadd.f32 v8, v7;
	_ =	sdelay $0x1  }
0xa1: {  	v6 =	vadd.f32 v6, v7;
	_ =	sdelay $0x1  }
0xa2: {  	v7 =	vmul.f32 $2.000000030e-01, v6  }
0xa3: {  	vm0 =	vgt.f32 v6, $0.0e+00  }
0xa4: {  	v6 =	vsel vm0, v6, v7  }
0xa5: {  	v6 =	vmul.f32 $1.442695020e+00, v6;
	_ =	sdelay $0x1  }
0xa6: {  	(erf) = vpow2.f32 v6;
	_ =	sdelay $0x4  }
0xa7: {  	s20 =	simm.s32 $0x0  }
0xa8: {  	v6 =	vmov s20;
	_ =	sdelay $0x2  }
0xa9: {  	s19 =	sadd.s32 $0x10, s19;
	v7 =	vpop (erf)  }
0xaa: {  	[tilespmem:s19+$0x0] =	vst v7  }
0xab: {  	s19 =	simm.s32 $0xDC0;
	v7 =	vld.idx.msk [tilespmem:v6+s0+$0x0], $0xffff  }
0xac: {  	v8 =	vld [tilespmem:s19+$0xFFFFFFC0]  }
0xad: {  	v9 =	vld [tilespmem:s19+$0xFFFFFFD0];
	_ =	sdelay $0x2  }
0xae: {  	v10 =	vor.u32 $0x1, v6  }
0xaf: {  	v8 =	vmul.f32 v8, v7  }
0xb0: {  	v7 =	vmul.f32 v9, v7  }
0xb1: {  	[tilespmem:s19+$0xFFFFFFC0] =	vst v8  }
0xb2: {  	[tilespmem:s19+$0xFFFFFFD0] =	vst v7;
	v8 =	vld [tilespmem:s19+$0xFFFFFFE0]  }
0xb3: {  	v7 =	vld.idx.msk [tilespmem:v10+s0+$0x0], $0xffff  }
0xb4: {  	v60 =	vld [tilespmem:s19+$0xFFFFFFF0];
	_ =	sdelay $0x2  }
0xb5: {  	v61 =	vor.u32 $0x2, v6  }
0xb6: {  	v8 =	vmul.f32 v8, v7  }
0xb7: {  	v7 =	vmul.f32 v60, v7  }
0xb8: {  	[tilespmem:s19+$0xFFFFFFE0] =	vst v8  }
0xb9: {  	[tilespmem:s19+$0xFFFFFFF0] =	vst v7;
	v8 =	vld [tilespmem:s19+$0x0]  }
0xba: {  	v7 =	vld.idx.msk [tilespmem:v61+s0+$0x0], $0xffff  }
0xbb: {  	v62 =	vld [tilespmem:s19+$0x10];
	_ =	sdelay $0x2  }
0xbc: {  	v6 =	vor.u32 $0x3, v6  }
0xbd: {  	v8 =	vmul.f32 v8, v7  }
0xbe: {  	v7 =	vmul.f32 v62, v7  }
0xbf: {  	[tilespmem:s19+$0x0] =	vst v8  }
0xc0: {  	[tilespmem:s19+$0x10] =	vst v7;
	v7 =	vld [tilespmem:s19+$0x30]  }
0xc1: {  	v6 =	vld.idx.msk [tilespmem:v6+s0+$0x0], $0xffff  }
0xc2: {  	v8 =	vld [tilespmem:s19+$0x20];
	_ =	sdelay $0x2  }
0xc3: {  	v63 =	vor.u32 s20, v4  }
0xc4: {  	v7 =	vmul.f32 v7, v6  }
0xc5: {  	v6 =	vmul.f32 v8, v6  }
0xc6: {  	[tilespmem:s19+$0x30] =	vst v7  }
0xc7: {  	v8 =	vld [tilespmem:s19+$0x40];
	[tilespmem:s19+$0x20] =	vst v6  }
0xc8: {  	v7 =	vld.idx.msk [tilespmem:v63+s0+$0x0], $0xffff;
	_ =	sdelay $0x1  }
0xc9: {  	s20 =	simm.s32 $0x4  }
0xca: {  	v6 =	vmov s20;
	_ =	sdelay $0x1  }
0xcb: {  	v7 =	vmul.f32 v8, v7  }
0xcc: {  	s21 =	simm.s32 $0x8  }
.LBB2_7:
0xcd: {  	p0 =	sne.s32 s21, $0x1FC;
	[tilespmem:s19+$0x40] =	vst v7  }
0xce: {  	s19 =	sadd.s32 $0x90, s19;
	v7 =	vld.idx.msk [tilespmem:v6+s0+$0x0], $0xffff  }
0xcf: {  	v8 =	vld [tilespmem:s19+$0xFFFFFFC0]  }
0xd0: {  	v9 =	vld [tilespmem:s19+$0xFFFFFFD0];
	_ =	sdelay $0x2  }
0xd1: {  	v10 =	vor.u32 $0x1, v6  }
0xd2: {  	v8 =	vmul.f32 v8, v7  }
0xd3: {  	v7 =	vmul.f32 v9, v7  }
0xd4: {  	[tilespmem:s19+$0xFFFFFFC0] =	vst v8  }
0xd5: {  	[tilespmem:s19+$0xFFFFFFD0] =	vst v7  }
0xd6: {  	v7 =	vld.idx.msk [tilespmem:v10+s0+$0x0], $0xffff  }
0xd7: {  	v8 =	vld [tilespmem:s19+$0xFFFFFFE0]  }
0xd8: {  	v9 =	vld [tilespmem:s19+$0xFFFFFFF0];
	_ =	sdelay $0x2  }
0xd9: {  	v10 =	vor.u32 $0x2, v6  }
0xda: {  	v8 =	vmul.f32 v8, v7  }
0xdb: {  	v7 =	vmul.f32 v9, v7  }
0xdc: {  	[tilespmem:s19+$0xFFFFFFE0] =	vst v8  }
0xdd: {  	[tilespmem:s19+$0xFFFFFFF0] =	vst v7  }
0xde: {  	v7 =	vld.idx.msk [tilespmem:v10+s0+$0x0], $0xffff  }
0xdf: {  	v8 =	vld [tilespmem:s19+$0x0]  }
0xe0: {  	v9 =	vld [tilespmem:s19+$0x10];
	_ =	sdelay $0x2  }
0xe1: {  	v6 =	vor.u32 $0x3, v6  }
0xe2: {  	v8 =	vmul.f32 v8, v7  }
0xe3: {  	v7 =	vmul.f32 v9, v7  }
0xe4: {  	[tilespmem:s19+$0x0] =	vst v8  }
0xe5: {  	[tilespmem:s19+$0x10] =	vst v7;
	v7 =	vld [tilespmem:s19+$0x30]  }
0xe6: {  	v6 =	vld.idx.msk [tilespmem:v6+s0+$0x0], $0xffff  }
0xe7: {  	v8 =	vld [tilespmem:s19+$0x20];
	_ =	sdelay $0x3  }
0xe8: {  	v9 =	vor.u32 s20, v4;
	s20 =	smov.u32 s21  }
0xe9: {  	v8 =	vmul.f32 v8, v6;
	v6 =	vmul.f32 v7, v6;
	_ =	sdelay $0x1  }
0xea: {  	[tilespmem:s19+$0x30] =	vst v6  }
0xeb: {  	[tilespmem:s19+$0x20] =	vst v8  }
0xec: {  	v7 =	vld.idx.msk [tilespmem:v9+s0+$0x0], $0xffff  }
0xed: {  	v8 =	vld [tilespmem:s19+$0x40];
	_ =	sdelay $0x1  }
.Ltmp2:
0xee: {  	(pc) =	sbr.rel @p0 .LBB2_7-.Ltmp2, $3  }
0xef: {  	v6 =	vmov s21;
	_ =	sdelay $0x1  }
0xf0: {  	v7 =	vmul.f32 v8, v7  }
0xf1: {  	s21 =	sadd.s32 $0x4, s21  }
0xf2: {  	_ =	sdelay $0x2  }
0xf3: {  	[tilespmem:s19+$0x40] =	vst v7  }
0xf4: {  	s21 =	sadd.s32 $0x90, s19;
	v7 =	vld.idx.msk [tilespmem:v6+s0+$0x0], $0xffff  }
0xf5: {  	v8 =	vld [tilespmem:s21+$0xFFFFFFC0]  }
0xf6: {  	v9 =	vld [tilespmem:s21+$0xFFFFFFD0];
	_ =	sdelay $0x2  }
0xf7: {  	v10 =	vor.u32 $0x1, v6  }
0xf8: {  	v8 =	vmul.f32 v8, v7  }
0xf9: {  	v7 =	vmul.f32 v9, v7  }
0xfa: {  	[tilespmem:s21+$0xFFFFFFC0] =	vst v8  }
0xfb: {  	v57 =	vld [tilespmem:s21+$0xFFFFFFE0];
	[tilespmem:s21+$0xFFFFFFD0] =	vst v7  }
0xfc: {  	v7 =	vld.idx.msk [tilespmem:v10+s0+$0x0], $0xffff  }
0xfd: {  	v58 =	vld [tilespmem:s21+$0xFFFFFFF0];
	_ =	sdelay $0x2  }
0xfe: {  	v59 =	vor.u32 $0x2, v6  }
0xff: {  	v8 =	vmul.f32 v57, v7  }
0x100: {  	v7 =	vmul.f32 v58, v7  }
0x101: {  	[tilespmem:s21+$0xFFFFFFE0] =	vst v8  }
0x102: {  	v60 =	vld [tilespmem:s21+$0x0];
	[tilespmem:s21+$0xFFFFFFF0] =	vst v7  }
0x103: {  	v7 =	vld.idx.msk [tilespmem:v59+s0+$0x0], $0xffff  }
0x104: {  	v61 =	vld [tilespmem:s21+$0x10];
	_ =	sdelay $0x2  }
0x105: {  	v6 =	vor.u32 $0x3, v6  }
0x106: {  	v8 =	vmul.f32 v60, v7  }
0x107: {  	v7 =	vmul.f32 v61, v7  }
0x108: {  	[tilespmem:s21+$0x0] =	vst v8  }
0x109: {  	[tilespmem:s21+$0x10] =	vst v7;
	v7 =	vld [tilespmem:s21+$0x30]  }
0x10a: {  	v6 =	vld.idx.msk [tilespmem:v6+s0+$0x0], $0xffff  }
0x10b: {  	v62 =	vld [tilespmem:s21+$0x20];
	_ =	sdelay $0x2  }
0x10c: {  	v63 =	vor.u32 s20, v4  }
0x10d: {  	v7 =	vmul.f32 v7, v6  }
0x10e: {  	v6 =	vmul.f32 v62, v6  }
0x10f: {  	[tilespmem:s21+$0x30] =	vst v7  }
0x110: {  	[tilespmem:s21+$0x20] =	vst v6;
	v7 =	vld [tilespmem:s21+$0x40]  }
0x111: {  	v6 =	vld.idx.msk [tilespmem:v63+s0+$0x0], $0xffff;
	_ =	sdelay $0x4  }
0x112: {  	s18 =	sadd.s32 $0x1, s18;
	v6 =	vmul.f32 v7, v6  }
0x113: {  	p0 =	sne.s32 s18, $0xA2  }
.Ltmp3:
0x114: {  	[tilespmem:s21+$0x40] =	vst v6;
	(pc) =	sbr.rel @p0 .LBB2_4-.Ltmp3, $4  }
0x115: {  	[spmem:s3] =	stream.indirect.scatter.add.f32 [tilespmem:s23], [sflag:$0x2], $0x90, s25, s25, $0xb8;
	[tilespmem:$0x1BD80] =	vst v63  }
0x116: {  	_ =	swait.ge [sflag:s24], $0x4800  }
0x117: {  	[sflag:s24] =	ssyncset.done $0x0  }
0x118: {  	[sflag:s24] =	ssyncadd.s32 $0xFFFFB800  }
0x119: {  	s4 =	stileid.u32  }
0x11a: {  	s4 =	sshll.u32 s4, $0x6  }
0x11b: {  	[bflag:$0x0] =	sbarrier.arrive $0xFFFF;
	s18 =	sshrl.u32 s10, $0x3;
	s4 =	sor.u32 $0x1C02, s4  }
0x11c: {  	[hbm:s16], [sflag:s4] =	dma.local [spmem:s18], $0x900  }
0x11d: {  	_ =	swait.ge [sflag:s24], $0x900  }
0x11e: {  	[sflag:s24] =	ssyncset.done $0x0  }
0x11f: {  	s21 =	sshrl.u32 s11, $0x3;
	s19 =	rddreg [dreg:$0x4];
	[sflag:s24] =	ssyncadd.s32 $0xFFFFF700  }
0x120: {  	[hbm:s19], [sflag:s4] =	dma.local [spmem:s21], $0x900  }
0x121: {  	_ =	swait.ge [sflag:s24], $0x900  }
0x122: {  	[sflag:s24] =	ssyncset.done $0x0  }
0x123: {  	s20 =	sshrl.u32 s12, $0x3;
	s21 =	rddreg [dreg:$0x5];
	[sflag:s24] =	ssyncadd.s32 $0xFFFFF700  }
0x124: {  	[hbm:s21], [sflag:s4] =	dma.local [spmem:s20], $0x900  }
0x125: {  	_ =	swait.ge [sflag:s24], $0x900  }
0x126: {  	[sflag:s24] =	ssyncset.done $0x0  }
0x127: {  	s20 =	sshrl.u32 s13, $0x3;
	s21 =	rddreg [dreg:$0x6];
	[sflag:s24] =	ssyncadd.s32 $0xFFFFF700  }
0x128: {  	[hbm:s21], [sflag:s4] =	dma.local [spmem:s20], $0x900  }
0x129: {  	s5 =	sadd.s32 $0x1, s5;
	_ =	swait.ge [sflag:s24], $0x900  }
0x12a: {  	p0 =	sne.s32 s5, s22;
	s20 =	sshrl.u32 s14, $0x3;
	[sflag:s24] =	ssyncset.done $0x0  }
.Ltmp4:
0x12b: {  	s21 =	rddreg [dreg:$0x7];
	[sflag:s24] =	ssyncadd.s32 $0xFFFFF700;
	(pc) =	sbr.rel @p0 .LBB2_1-.Ltmp4, $4  }
0x12c: {  	[hbm:s21], [sflag:s4] =	dma.local [spmem:s20], $0x900  }
0x12d: {  	_ =	swait.ge [sflag:s24], $0x900  }
0x12e: {  	[sflag:s24] =	ssyncset.done $0x0  }
0x12f: {  	[sflag:s24] =	ssyncadd.s32 $0xFFFFF700  }
0x130: {  	_ =	sfence.sel $0x180000  }
0x131: {  	[bflag:$0x0] =	sbarrier.arrive $0xFFFF  }
0x132: {  	_ =	strace $0x90000047  }
0x133: {  	s0 =	stileid.u32;
	[bflag:$0x2] =	sbarrier.arrive $0xFFFF  }
0x134: {  	p0 =	sne.s32 s0, $0x0;
	s0 =	rddreg [dreg:$0x3]  }
0x135: {  	s0 =	sadd.s32 @!p0 $0x100000, s0  }
0x136: {  	[sflag:s0] =	ssyncadd.tile.s32 @!p0 $0x1;
	_ =	shalt  }
.Lfunc_end2:
_tile_overlayer_lowered:
.L_overlay_start_2:
0x137: {  	(tag) =	ssettag $0x2  }
0x138: {  	s0 =	rddreg [dreg:$0x0];
	s2 =	stileid.u32  }
0x139: {  	s1 =	rddreg [dreg:$0x1];
	p0 =	sne.s32 s2, $0x0  }
0x13a: {  	s3 =	rddreg [dreg:$0x2];
	[bflag:$0x3] =	sbarrier.arrive $0xFFFF;
	s2 =	simm.s32 @!p0 $0x1C02  }
0x13b: {  	[timem:s3], [sflag:s2] =	dma.local @!p0 [hbm:s0], s1  }
0x13c: {  	s0 =	simm.s32 @!p0 $0x2  }
0x13d: {  	_ =	swait.ge @!p0 [sflag:s0], s1  }
0x13e: {  	s1 =	ssub.s32 @!p0 $0x0, s1;
	[sflag:s0] =	ssyncset.done @!p0 $0x0  }
0x13f: {  	[sflag:s0] =	ssyncadd.s32 @!p0 s1  }
0x140: {  	[bflag:$0x3] =	sbarrier.arrive $0xFFFF  }
0x141: {  	_ =	shalt  }

</sc_bundles>
